<compile_context>
chip_gen: v7x
topology: tpu7x:2x2x1
jax: 0.10.2.dev20260603
libtpu: 0.0.44.dev20260713+nightly
codegen_flags: <defaults>
</compile_context>

<pallas_src>
import functools

import jax
import jax.numpy as jnp
from jax import lax
from jax.experimental import pallas as pl
from jax.experimental.pallas import tpu as pltpu
from jax.experimental.pallas import tpu_sc as plsc



def _tc_body(x_ref, wc_ref, wn_ref, avn_ref, avc_ref,
             zc_ref, h_ref, p_ref, q_ref):
    x = x_ref[...]
    zc = jnp.dot(x, wc_ref[...], preferred_element_type=jnp.float32)
    h = jnp.dot(x, wn_ref[...], preferred_element_type=jnp.float32)
    zc_ref[...] = zc
    h_ref[...] = h
    p_ref[...] = jnp.dot(h, avn_ref[...], preferred_element_type=jnp.float32)
    q_ref[...] = jnp.dot(zc, avc_ref[...], preferred_element_type=jnp.float32)


def _tc_matmuls(xp, Wvc, Wvn, avn, avc, BM):
    Np, V = xp.shape
    F = Wvc.shape[1]
    grid = Np // BM
    return pl.pallas_call(
        _tc_body,
        grid=(grid,),
        in_specs=[
            pl.BlockSpec((BM, V), lambda i: (i, 0)),
            pl.BlockSpec((V, F), lambda i: (0, 0)),
            pl.BlockSpec((V, F), lambda i: (0, 0)),
            pl.BlockSpec((F, 1), lambda i: (0, 0)),
            pl.BlockSpec((F, 1), lambda i: (0, 0)),
        ],
        out_specs=[
            pl.BlockSpec((BM, F), lambda i: (i, 0)),
            pl.BlockSpec((BM, F), lambda i: (i, 0)),
            pl.BlockSpec((BM, 1), lambda i: (i, 0)),
            pl.BlockSpec((BM, 1), lambda i: (i, 0)),
        ],
        out_shape=[
            jax.ShapeDtypeStruct((Np, F), jnp.float32),
            jax.ShapeDtypeStruct((Np, F), jnp.float32),
            jax.ShapeDtypeStruct((Np, 1), jnp.float32),
            jax.ShapeDtypeStruct((Np, 1), jnp.float32),
        ],
    )(xp, Wvc, Wvn, avn, avc)



def _make_sc_kernel(Np, F, K, NW, npt):
    nblk = npt // 16
    mesh = plsc.VectorSubcoreMesh(core_axis_name="c", subcore_axis_name="s")
    info = plsc.get_sparse_core_info()
    NC = info.num_cores

    @functools.partial(
        pl.kernel,
        mesh=mesh,
        compiler_params=pltpu.CompilerParams(needs_layout_passes=False),
        out_type=jax.ShapeDtypeStruct((Np, F), jnp.float32),
        scratch_types=[
            pltpu.VMEM((Np,), jnp.float32),
            pltpu.VMEM((npt,), jnp.float32),
            pltpu.VMEM((K, npt), jnp.int32),
            pltpu.VMEM((K, npt), jnp.int32),
            pltpu.VMEM((K, npt), jnp.float32),
            pltpu.VMEM((K, npt), jnp.float32),
            pltpu.VMEM((F,), jnp.float32),
            pltpu.VMEM((K * 16, F), jnp.float32),
            pltpu.VMEM((K * 16, F), jnp.float32),
            pltpu.VMEM((K * 16,), jnp.float32),
            pltpu.VMEM((K * 16,), jnp.float32),
            pltpu.VMEM((16, F), jnp.float32),
            pltpu.VMEM((16, F), jnp.float32),
            pltpu.SemaphoreType.DMA,
            pltpu.SemaphoreType.DMA,
        ],
    )
    def sc_kernel(h_hbm, p_hbm, q_hbm, ii_hbm, in_hbm, ei_hbm, en_hbm,
                  bv_hbm, zc_hbm, out_hbm,
                  p_v, q_v, ii_v, in_v, ei_v, en_v, bv_v,
                  rows_i, rows_n, w_i, w_n, zc_v, out_v, sem, sem_zc):
        wid = lax.axis_index("s") * NC + lax.axis_index("c")
        base = wid * npt
        pltpu.sync_copy(p_hbm, p_v)
        pltpu.sync_copy(q_hbm.at[wid], q_v)
        pltpu.sync_copy(ii_hbm.at[wid], ii_v)
        pltpu.sync_copy(in_hbm.at[wid], in_v)
        pltpu.sync_copy(ei_hbm.at[wid], ei_v)
        pltpu.sync_copy(en_hbm.at[wid], en_v)
        pltpu.sync_copy(bv_hbm, bv_v)

        def softmax_weights(idx_v, ed_v, w_ref, off, qv):
            xs = []
            m = None
            for k in range(K):
                ik = idx_v[k, pl.ds(off, 16)]
                pg = plsc.load_gather(p_v, [ik])
                ek = (pg + qv) * ed_v[k, pl.ds(off, 16)]
                xs.append(ek)
                m = ek if m is None else jnp.maximum(m, ek)
            s = None
            for k in range(K):
                xs[k] = jnp.exp(xs[k] - m)
                s = xs[k] if s is None else s + xs[k]
            inv = 1.0 / (float(K) * s)
            for k in range(K):
                w_ref[pl.ds(k * 16, 16)] = xs[k] * inv

        def block(b, _):
            off = b * 16
            descs = []
            for k in range(K):
                descs.append(pltpu.async_copy(
                    h_hbm.at[ii_v.at[k, pl.ds(off, 16)]],
                    rows_i.at[pl.ds(k * 16, 16)], sem))
            for k in range(K):
                descs.append(pltpu.async_copy(
                    h_hbm.at[in_v.at[k, pl.ds(off, 16)]],
                    rows_n.at[pl.ds(k * 16, 16)], sem))
            zc_desc = pltpu.async_copy(zc_hbm.at[pl.ds(base + off, 16)],
                                       zc_v, sem_zc)

            qv = q_v[pl.ds(off, 16)]
            softmax_weights(ii_v, ei_v, w_i, off, qv)
            softmax_weights(in_v, en_v, w_n, off, qv)

            for d in descs:
                d.wait()
            zc_desc.wait()

            def nbody(n, _):
                nn = lax.broadcast(n, (16,))
                wbi = [plsc.load_gather(w_i, [nn + (k * 16)]) for k in range(K)]
                wbn = [plsc.load_gather(w_n, [nn + (k * 16)]) for k in range(K)]

                def jbody(j, _):
                    js = j * 16
                    acc = zc_v[n, pl.ds(js, 16)] + bv_v[pl.ds(js, 16)]
                    for k in range(K):
                        acc = acc + wbi[k] * rows_i[k * 16 + n, pl.ds(js, 16)]
                    for k in range(K):
                        acc = acc + wbn[k] * rows_n[k * 16 + n, pl.ds(js, 16)]
                    out_v[n, pl.ds(js, 16)] = jnp.maximum(acc, 0.0)
                    return 0

                lax.fori_loop(0, F // 16, jbody, 0)
                return 0

            lax.fori_loop(0, 16, nbody, 0)
            pltpu.sync_copy(out_v, out_hbm.at[pl.ds(base + off, 16)])
            return 0

        lax.fori_loop(0, nblk, block, 0)

    return sc_kernel



def kernel(vertices, nh_indices, int_indices, nh_edges, int_edges, Wvc, bv, Wvn, a):
    N, V = vertices.shape
    F = Wvc.shape[1]
    K = nh_indices.shape[1]
    NW = 32
    npt = -(-N // (NW * 16)) * 16
    Np = NW * npt

    avn = a[:F, :]
    avc = a[F:, :]

    xp = jnp.zeros((Np, V), jnp.float32).at[:N, :].set(vertices)
    Zc, H, p, q = _tc_matmuls(xp, Wvc, Wvn, avn, avc, BM=512)

    def chunked(arr, dtype):
        ap = jnp.zeros((Np, K), dtype).at[:N, :].set(arr)
        return ap.reshape(NW, npt, K).transpose(0, 2, 1)

    ii = chunked(int_indices, jnp.int32)
    inh = chunked(nh_indices, jnp.int32)
    ei = chunked(int_edges, jnp.float32)
    en = chunked(nh_edges, jnp.float32)
    qw = q.reshape(NW, npt)

    sc = _make_sc_kernel(Np, F, K, NW, npt)
    out = sc(H, p.reshape(Np), qw, ii, inh, ei, en, bv, Zc)

    return (out[:N], nh_indices, int_indices, nh_edges, int_edges)

# --- scband reference (transcript-rebuilt; emitter-appended) ---
"""Pipeline reference for scband-gat-9818295238763 (READ-ONLY COPY).

The authoritative reference and input builder live on the scoring server;
editing this copy changes nothing except your own understanding.
"""

import jax, jax.numpy as jnp
import numpy as np

N = 10000
V = 256
F = 256
K = 10

def setup_inputs(seed: int = 0) -> dict:
    key = jax.random.key(seed)
    ks = jax.random.split(key, 8)
    vertices = jax.random.normal(ks[0], (N, V), dtype=jnp.float32)
    nh_indices = jax.random.randint(ks[1], (N, K), 0, N, dtype=jnp.int32)
    int_indices = jax.random.randint(ks[2], (N, K), 0, N, dtype=jnp.int32)
    nh_edges = jax.random.uniform(ks[3], (N, K), dtype=jnp.float32)
    int_edges = jax.random.uniform(ks[4], (N, K), dtype=jnp.float32)
    # learned parameters (kaiming-uniform-like init)
    bound_w = float(np.sqrt(6.0 / V))
    bound_a = float(np.sqrt(6.0 / (2 * F)))
    Wvc = jax.random.uniform(ks[5], (V, F), dtype=jnp.float32, minval=-bound_w, maxval=bound_w)
    Wvn = jax.random.uniform(ks[6], (V, F), dtype=jnp.float32, minval=-bound_w, maxval=bound_w)
    a = jax.random.uniform(ks[7], (2 * F, 1), dtype=jnp.float32, minval=-bound_a, maxval=bound_a)
    bv = jnp.zeros((F,), dtype=jnp.float32)
    return {"vertices": vertices, "nh_indices": nh_indices, "int_indices": int_indices,
            "nh_edges": nh_edges, "int_edges": int_edges,
            "Wvc": Wvc, "bv": bv, "Wvn": Wvn, "a": a}


def reference(vertices, nh_indices, int_indices, nh_edges, int_edges, Wvc, bv, Wvn, a):
    Zc = vertices @ Wvc                      # [N, F]
    v_Wvn = vertices @ Wvn                   # [N, F]
    int_e = int_edges[:, :, None]            # [N, K, 1]
    nh_e = nh_edges[:, :, None]
    int_part = (int_indices != -1)[:, :, None].astype(jnp.float32)
    nh_part = (nh_indices != -1)[:, :, None].astype(jnp.float32)
    Zc_rep = jnp.repeat(Zc[:, None, :], K, axis=1)  # [N, K, F]
    g_int = jnp.take(v_Wvn, int_indices, axis=0)    # gather [N, K, F]
    g_nh = jnp.take(v_Wvn, nh_indices, axis=0)      # gather [N, K, F]
    e_inter = (jnp.matmul(jnp.concatenate([g_int, Zc_rep], axis=2), a) * int_part * int_e)[..., 0]
    alpha_inter = jax.nn.softmax(e_inter, axis=1)[:, :, None]
    e_chain = (jnp.matmul(jnp.concatenate([g_nh, Zc_rep], axis=2), a) * nh_part * nh_e)[..., 0]
    alpha_chain = jax.nn.softmax(e_chain, axis=1)[:, :, None]
    Zn_inter = jnp.sum(g_int * int_part * alpha_inter, axis=1) / jnp.sum(int_indices > -1, axis=1)[:, None].astype(jnp.float32)
    Zn_chain = jnp.sum(g_nh * nh_part * alpha_chain, axis=1) / jnp.sum(nh_indices > -1, axis=1)[:, None].astype(jnp.float32)
    sig = Zc + Zn_inter + Zn_chain + bv
    z = jax.nn.relu(sig)
    # dropout p=0.0 -> identity (module skips when self.dropout is falsy)
    return (z, nh_indices, int_indices, nh_edges, int_edges)

if __name__ == "__main__":
    import jax
    _d = setup_inputs()
    print(jax.jit(kernel)(*tuple(_d.values())))

</pallas_src>

<mosaic_0001>
#map = affine_map<(d0, d1) -> (0, 0)>
#map1 = affine_map<(d0, d1) -> (0)>
#map2 = affine_map<(d0, d1) -> (0, 0, 0)>
module attributes {stable_mosaic.version = 14 : i64} {
  func.func @sc_kernel(%arg0: i32, %arg1: i32, %arg2: memref<10240x256xf32, #tpu.memory_space<hbm>>, %arg3: memref<10240xf32, #tpu.memory_space<hbm>>, %arg4: memref<32x320xf32, #tpu.memory_space<hbm>>, %arg5: memref<32x10x320xi32, #tpu.memory_space<hbm>>, %arg6: memref<32x10x320xi32, #tpu.memory_space<hbm>>, %arg7: memref<32x10x320xf32, #tpu.memory_space<hbm>>, %arg8: memref<32x10x320xf32, #tpu.memory_space<hbm>>, %arg9: memref<256xf32, #tpu.memory_space<hbm>>, %arg10: memref<10240x256xf32, #tpu.memory_space<hbm>>, %arg11: memref<10240x256xf32, #tpu.memory_space<hbm>>, %arg12: memref<10240xf32, #tpu.memory_space<vmem>>, %arg13: memref<320xf32, #tpu.memory_space<vmem>>, %arg14: memref<10x320xi32, #tpu.memory_space<vmem>>, %arg15: memref<10x320xi32, #tpu.memory_space<vmem>>, %arg16: memref<10x320xf32, #tpu.memory_space<vmem>>, %arg17: memref<10x320xf32, #tpu.memory_space<vmem>>, %arg18: memref<256xf32, #tpu.memory_space<vmem>>, %arg19: memref<160x256xf32, #tpu.memory_space<vmem>>, %arg20: memref<160x256xf32, #tpu.memory_space<vmem>>, %arg21: memref<160xf32, #tpu.memory_space<vmem>>, %arg22: memref<160xf32, #tpu.memory_space<vmem>>, %arg23: memref<16x256xf32, #tpu.memory_space<vmem>>, %arg24: memref<16x256xf32, #tpu.memory_space<vmem>>, %arg25: memref<!tpu.dma_semaphore, #tpu.memory_space<semaphore_mem>>, %arg26: memref<!tpu.dma_semaphore, #tpu.memory_space<semaphore_mem>>) attributes {dimension_semantics = [#tpu.dimension_semantics<core_parallel>, #tpu.dimension_semantics<subcore_parallel>], iteration_bounds = array<i64: 2, 16>, scalar_prefetch = 0 : i64, scratch_operands = 15 : i64, tpu.core_type = #tpu.core_type<sc_vector_subcore>, window_params = [{transform_indices = #map}, {transform_indices = #map1}, {transform_indices = #map}, {transform_indices = #map2}, {transform_indices = #map2}, {transform_indices = #map2}, {transform_indices = #map2}, {transform_indices = #map1}, {transform_indices = #map}, {transform_indices = #map}]} {
    %mul3A = arith.constant 2 : i32
    %mul3A_0 = arith.muli %arg1, %mul3A : i32
    %add3A = arith.addi %mul3A_0, %arg0 : i32
    %mul3A_1 = arith.constant 320 : i32
    %mul3A_2 = arith.muli %add3A, %mul3A_1 : i32
    "tpu.region"() ({
      %run_scoped3A = tpu.sem_alloc : memref<!tpu.dma_semaphore, #tpu.memory_space<semaphore_mem>>
      tpu.enqueue_dma source(%arg3 : memref<10240xf32, #tpu.memory_space<hbm>>) target(%arg12 : memref<10240xf32, #tpu.memory_space<vmem>>) target_semaphore(%run_scoped3A : memref<!tpu.dma_semaphore, #tpu.memory_space<semaphore_mem>>)
      tpu.wait_dma2 semaphore(%run_scoped3A : memref<!tpu.dma_semaphore, #tpu.memory_space<semaphore_mem>>) src(%arg3 : memref<10240xf32, #tpu.memory_space<hbm>>) dst(%arg12 : memref<10240xf32, #tpu.memory_space<vmem>>)
      tpu.yield
    }) : () -> ()
    "tpu.region"() ({
      %run_scoped3A = tpu.sem_alloc : memref<!tpu.dma_semaphore, #tpu.memory_space<semaphore_mem>>
      %dma_start3A = arith.constant 0 : i32
      %dma_start3A_9 = tpu.memref_slice %arg4[%add3A, %dma_start3A] : memref<32x320xf32, #tpu.memory_space<hbm>> -> memref<1x320xf32, #tpu.memory_space<hbm>>
      %dma_start3A_10 = tpu.memref_squeeze %dma_start3A_9 : memref<1x320xf32, #tpu.memory_space<hbm>> -> memref<320xf32, #tpu.memory_space<hbm>>
      %dma_start3A_11 = arith.constant 0 : i32
      %dma_start3A_12 = tpu.memref_slice %arg4[%add3A, %dma_start3A_11] : memref<32x320xf32, #tpu.memory_space<hbm>> -> memref<1x320xf32, #tpu.memory_space<hbm>>
      %dma_start3A_13 = tpu.memref_squeeze %dma_start3A_12 : memref<1x320xf32, #tpu.memory_space<hbm>> -> memref<320xf32, #tpu.memory_space<hbm>>
      tpu.enqueue_dma source(%dma_start3A_13 : memref<320xf32, #tpu.memory_space<hbm>>) target(%arg13 : memref<320xf32, #tpu.memory_space<vmem>>) target_semaphore(%run_scoped3A : memref<!tpu.dma_semaphore, #tpu.memory_space<semaphore_mem>>)
      %dma_wait3A = arith.constant 0 : i32
      %dma_wait3A_14 = tpu.memref_slice %arg4[%add3A, %dma_wait3A] : memref<32x320xf32, #tpu.memory_space<hbm>> -> memref<1x320xf32, #tpu.memory_space<hbm>>
      %dma_wait3A_15 = tpu.memref_squeeze %dma_wait3A_14 : memref<1x320xf32, #tpu.memory_space<hbm>> -> memref<320xf32, #tpu.memory_space<hbm>>
      %dma_wait3A_16 = arith.constant 0 : i32
      %dma_wait3A_17 = tpu.memref_slice %arg4[%add3A, %dma_wait3A_16] : memref<32x320xf32, #tpu.memory_space<hbm>> -> memref<1x320xf32, #tpu.memory_space<hbm>>
      %dma_wait3A_18 = tpu.memref_squeeze %dma_wait3A_17 : memref<1x320xf32, #tpu.memory_space<hbm>> -> memref<320xf32, #tpu.memory_space<hbm>>
      tpu.wait_dma2 semaphore(%run_scoped3A : memref<!tpu.dma_semaphore, #tpu.memory_space<semaphore_mem>>) src(%dma_wait3A_18 : memref<320xf32, #tpu.memory_space<hbm>>) dst(%arg13 : memref<320xf32, #tpu.memory_space<vmem>>)
      tpu.yield
    }) : () -> ()
    "tpu.region"() ({
      %run_scoped3A = tpu.sem_alloc : memref<!tpu.dma_semaphore, #tpu.memory_space<semaphore_mem>>
      %dma_start3A = arith.constant 0 : i32
      %dma_start3A_9 = arith.constant 0 : i32
      %dma_start3A_10 = tpu.memref_slice %arg5[%add3A, %dma_start3A, %dma_start3A_9] : memref<32x10x320xi32, #tpu.memory_space<hbm>> -> memref<1x10x320xi32, #tpu.memory_space<hbm>>
      %dma_start3A_11 = tpu.memref_squeeze %dma_start3A_10 : memref<1x10x320xi32, #tpu.memory_space<hbm>> -> memref<10x320xi32, #tpu.memory_space<hbm>>
      %dma_start3A_12 = arith.constant 0 : i32
      %dma_start3A_13 = arith.constant 0 : i32
      %dma_start3A_14 = tpu.memref_slice %arg5[%add3A, %dma_start3A_12, %dma_start3A_13] : memref<32x10x320xi32, #tpu.memory_space<hbm>> -> memref<1x10x320xi32, #tpu.memory_space<hbm>>
      %dma_start3A_15 = tpu.memref_squeeze %dma_start3A_14 : memref<1x10x320xi32, #tpu.memory_space<hbm>> -> memref<10x320xi32, #tpu.memory_space<hbm>>
      tpu.enqueue_dma source(%dma_start3A_15 : memref<10x320xi32, #tpu.memory_space<hbm>>) target(%arg14 : memref<10x320xi32, #tpu.memory_space<vmem>>) target_semaphore(%run_scoped3A : memref<!tpu.dma_semaphore, #tpu.memory_space<semaphore_mem>>)
      %dma_wait3A = arith.constant 0 : i32
      %dma_wait3A_16 = arith.constant 0 : i32
      %dma_wait3A_17 = tpu.memref_slice %arg5[%add3A, %dma_wait3A, %dma_wait3A_16] : memref<32x10x320xi32, #tpu.memory_space<hbm>> -> memref<1x10x320xi32, #tpu.memory_space<hbm>>
      %dma_wait3A_18 = tpu.memref_squeeze %dma_wait3A_17 : memref<1x10x320xi32, #tpu.memory_space<hbm>> -> memref<10x320xi32, #tpu.memory_space<hbm>>
      %dma_wait3A_19 = arith.constant 0 : i32
      %dma_wait3A_20 = arith.constant 0 : i32
      %dma_wait3A_21 = tpu.memref_slice %arg5[%add3A, %dma_wait3A_19, %dma_wait3A_20] : memref<32x10x320xi32, #tpu.memory_space<hbm>> -> memref<1x10x320xi32, #tpu.memory_space<hbm>>
      %dma_wait3A_22 = tpu.memref_squeeze %dma_wait3A_21 : memref<1x10x320xi32, #tpu.memory_space<hbm>> -> memref<10x320xi32, #tpu.memory_space<hbm>>
      tpu.wait_dma2 semaphore(%run_scoped3A : memref<!tpu.dma_semaphore, #tpu.memory_space<semaphore_mem>>) src(%dma_wait3A_22 : memref<10x320xi32, #tpu.memory_space<hbm>>) dst(%arg14 : memref<10x320xi32, #tpu.memory_space<vmem>>)
      tpu.yield
    }) : () -> ()
    "tpu.region"() ({
      %run_scoped3A = tpu.sem_alloc : memref<!tpu.dma_semaphore, #tpu.memory_space<semaphore_mem>>
      %dma_start3A = arith.constant 0 : i32
      %dma_start3A_9 = arith.constant 0 : i32
      %dma_start3A_10 = tpu.memref_slice %arg6[%add3A, %dma_start3A, %dma_start3A_9] : memref<32x10x320xi32, #tpu.memory_space<hbm>> -> memref<1x10x320xi32, #tpu.memory_space<hbm>>
      %dma_start3A_11 = tpu.memref_squeeze %dma_start3A_10 : memref<1x10x320xi32, #tpu.memory_space<hbm>> -> memref<10x320xi32, #tpu.memory_space<hbm>>
      %dma_start3A_12 = arith.constant 0 : i32
      %dma_start3A_13 = arith.constant 0 : i32
      %dma_start3A_14 = tpu.memref_slice %arg6[%add3A, %dma_start3A_12, %dma_start3A_13] : memref<32x10x320xi32, #tpu.memory_space<hbm>> -> memref<1x10x320xi32, #tpu.memory_space<hbm>>
      %dma_start3A_15 = tpu.memref_squeeze %dma_start3A_14 : memref<1x10x320xi32, #tpu.memory_space<hbm>> -> memref<10x320xi32, #tpu.memory_space<hbm>>
      tpu.enqueue_dma source(%dma_start3A_15 : memref<10x320xi32, #tpu.memory_space<hbm>>) target(%arg15 : memref<10x320xi32, #tpu.memory_space<vmem>>) target_semaphore(%run_scoped3A : memref<!tpu.dma_semaphore, #tpu.memory_space<semaphore_mem>>)
      %dma_wait3A = arith.constant 0 : i32
      %dma_wait3A_16 = arith.constant 0 : i32
      %dma_wait3A_17 = tpu.memref_slice %arg6[%add3A, %dma_wait3A, %dma_wait3A_16] : memref<32x10x320xi32, #tpu.memory_space<hbm>> -> memref<1x10x320xi32, #tpu.memory_space<hbm>>
      %dma_wait3A_18 = tpu.memref_squeeze %dma_wait3A_17 : memref<1x10x320xi32, #tpu.memory_space<hbm>> -> memref<10x320xi32, #tpu.memory_space<hbm>>
      %dma_wait3A_19 = arith.constant 0 : i32
      %dma_wait3A_20 = arith.constant 0 : i32
      %dma_wait3A_21 = tpu.memref_slice %arg6[%add3A, %dma_wait3A_19, %dma_wait3A_20] : memref<32x10x320xi32, #tpu.memory_space<hbm>> -> memref<1x10x320xi32, #tpu.memory_space<hbm>>
      %dma_wait3A_22 = tpu.memref_squeeze %dma_wait3A_21 : memref<1x10x320xi32, #tpu.memory_space<hbm>> -> memref<10x320xi32, #tpu.memory_space<hbm>>
      tpu.wait_dma2 semaphore(%run_scoped3A : memref<!tpu.dma_semaphore, #tpu.memory_space<semaphore_mem>>) src(%dma_wait3A_22 : memref<10x320xi32, #tpu.memory_space<hbm>>) dst(%arg15 : memref<10x320xi32, #tpu.memory_space<vmem>>)
      tpu.yield
    }) : () -> ()
    "tpu.region"() ({
      %run_scoped3A = tpu.sem_alloc : memref<!tpu.dma_semaphore, #tpu.memory_space<semaphore_mem>>
      %dma_start3A = arith.constant 0 : i32
      %dma_start3A_9 = arith.constant 0 : i32
      %dma_start3A_10 = tpu.memref_slice %arg7[%add3A, %dma_start3A, %dma_start3A_9] : memref<32x10x320xf32, #tpu.memory_space<hbm>> -> memref<1x10x320xf32, #tpu.memory_space<hbm>>
      %dma_start3A_11 = tpu.memref_squeeze %dma_start3A_10 : memref<1x10x320xf32, #tpu.memory_space<hbm>> -> memref<10x320xf32, #tpu.memory_space<hbm>>
      %dma_start3A_12 = arith.constant 0 : i32
      %dma_start3A_13 = arith.constant 0 : i32
      %dma_start3A_14 = tpu.memref_slice %arg7[%add3A, %dma_start3A_12, %dma_start3A_13] : memref<32x10x320xf32, #tpu.memory_space<hbm>> -> memref<1x10x320xf32, #tpu.memory_space<hbm>>
      %dma_start3A_15 = tpu.memref_squeeze %dma_start3A_14 : memref<1x10x320xf32, #tpu.memory_space<hbm>> -> memref<10x320xf32, #tpu.memory_space<hbm>>
      tpu.enqueue_dma source(%dma_start3A_15 : memref<10x320xf32, #tpu.memory_space<hbm>>) target(%arg16 : memref<10x320xf32, #tpu.memory_space<vmem>>) target_semaphore(%run_scoped3A : memref<!tpu.dma_semaphore, #tpu.memory_space<semaphore_mem>>)
      %dma_wait3A = arith.constant 0 : i32
      %dma_wait3A_16 = arith.constant 0 : i32
      %dma_wait3A_17 = tpu.memref_slice %arg7[%add3A, %dma_wait3A, %dma_wait3A_16] : memref<32x10x320xf32, #tpu.memory_space<hbm>> -> memref<1x10x320xf32, #tpu.memory_space<hbm>>
      %dma_wait3A_18 = tpu.memref_squeeze %dma_wait3A_17 : memref<1x10x320xf32, #tpu.memory_space<hbm>> -> memref<10x320xf32, #tpu.memory_space<hbm>>
      %dma_wait3A_19 = arith.constant 0 : i32
      %dma_wait3A_20 = arith.constant 0 : i32
      %dma_wait3A_21 = tpu.memref_slice %arg7[%add3A, %dma_wait3A_19, %dma_wait3A_20] : memref<32x10x320xf32, #tpu.memory_space<hbm>> -> memref<1x10x320xf32, #tpu.memory_space<hbm>>
      %dma_wait3A_22 = tpu.memref_squeeze %dma_wait3A_21 : memref<1x10x320xf32, #tpu.memory_space<hbm>> -> memref<10x320xf32, #tpu.memory_space<hbm>>
      tpu.wait_dma2 semaphore(%run_scoped3A : memref<!tpu.dma_semaphore, #tpu.memory_space<semaphore_mem>>) src(%dma_wait3A_22 : memref<10x320xf32, #tpu.memory_space<hbm>>) dst(%arg16 : memref<10x320xf32, #tpu.memory_space<vmem>>)
      tpu.yield
    }) : () -> ()
    "tpu.region"() ({
      %run_scoped3A = tpu.sem_alloc : memref<!tpu.dma_semaphore, #tpu.memory_space<semaphore_mem>>
      %dma_start3A = arith.constant 0 : i32
      %dma_start3A_9 = arith.constant 0 : i32
      %dma_start3A_10 = tpu.memref_slice %arg8[%add3A, %dma_start3A, %dma_start3A_9] : memref<32x10x320xf32, #tpu.memory_space<hbm>> -> memref<1x10x320xf32, #tpu.memory_space<hbm>>
      %dma_start3A_11 = tpu.memref_squeeze %dma_start3A_10 : memref<1x10x320xf32, #tpu.memory_space<hbm>> -> memref<10x320xf32, #tpu.memory_space<hbm>>
      %dma_start3A_12 = arith.constant 0 : i32
      %dma_start3A_13 = arith.constant 0 : i32
      %dma_start3A_14 = tpu.memref_slice %arg8[%add3A, %dma_start3A_12, %dma_start3A_13] : memref<32x10x320xf32, #tpu.memory_space<hbm>> -> memref<1x10x320xf32, #tpu.memory_space<hbm>>
      %dma_start3A_15 = tpu.memref_squeeze %dma_start3A_14 : memref<1x10x320xf32, #tpu.memory_space<hbm>> -> memref<10x320xf32, #tpu.memory_space<hbm>>
      tpu.enqueue_dma source(%dma_start3A_15 : memref<10x320xf32, #tpu.memory_space<hbm>>) target(%arg17 : memref<10x320xf32, #tpu.memory_space<vmem>>) target_semaphore(%run_scoped3A : memref<!tpu.dma_semaphore, #tpu.memory_space<semaphore_mem>>)
      %dma_wait3A = arith.constant 0 : i32
      %dma_wait3A_16 = arith.constant 0 : i32
      %dma_wait3A_17 = tpu.memref_slice %arg8[%add3A, %dma_wait3A, %dma_wait3A_16] : memref<32x10x320xf32, #tpu.memory_space<hbm>> -> memref<1x10x320xf32, #tpu.memory_space<hbm>>
      %dma_wait3A_18 = tpu.memref_squeeze %dma_wait3A_17 : memref<1x10x320xf32, #tpu.memory_space<hbm>> -> memref<10x320xf32, #tpu.memory_space<hbm>>
      %dma_wait3A_19 = arith.constant 0 : i32
      %dma_wait3A_20 = arith.constant 0 : i32
      %dma_wait3A_21 = tpu.memref_slice %arg8[%add3A, %dma_wait3A_19, %dma_wait3A_20] : memref<32x10x320xf32, #tpu.memory_space<hbm>> -> memref<1x10x320xf32, #tpu.memory_space<hbm>>
      %dma_wait3A_22 = tpu.memref_squeeze %dma_wait3A_21 : memref<1x10x320xf32, #tpu.memory_space<hbm>> -> memref<10x320xf32, #tpu.memory_space<hbm>>
      tpu.wait_dma2 semaphore(%run_scoped3A : memref<!tpu.dma_semaphore, #tpu.memory_space<semaphore_mem>>) src(%dma_wait3A_22 : memref<10x320xf32, #tpu.memory_space<hbm>>) dst(%arg17 : memref<10x320xf32, #tpu.memory_space<vmem>>)
      tpu.yield
    }) : () -> ()
    "tpu.region"() ({
      %run_scoped3A = tpu.sem_alloc : memref<!tpu.dma_semaphore, #tpu.memory_space<semaphore_mem>>
      tpu.enqueue_dma source(%arg9 : memref<256xf32, #tpu.memory_space<hbm>>) target(%arg18 : memref<256xf32, #tpu.memory_space<vmem>>) target_semaphore(%run_scoped3A : memref<!tpu.dma_semaphore, #tpu.memory_space<semaphore_mem>>)
      tpu.wait_dma2 semaphore(%run_scoped3A : memref<!tpu.dma_semaphore, #tpu.memory_space<semaphore_mem>>) src(%arg9 : memref<256xf32, #tpu.memory_space<hbm>>) dst(%arg18 : memref<256xf32, #tpu.memory_space<vmem>>)
      tpu.yield
    }) : () -> ()
    %scan3A = arith.constant 0 : i32
    %scan3A_3 = arith.constant 0 : i32
    %scan3A_4 = arith.constant 20 : i32
    %scan3A_5 = arith.addi %scan3A_3, %scan3A_4 : i32
    %scan3A_6 = arith.constant 1 : i32
    %scan3A_7 = scf.for %scan3A_9 = %scan3A_3 to %scan3A_5 step %scan3A_6 iter_args(%scan3A_10 = %scan3A) -> (i32)  : i32 {
      %mul3A_11 = arith.constant 16 : i32
      %mul3A_12 = arith.muli %scan3A_9, %mul3A_11 : i32
      %dma_start3A = arith.constant 0 : i32
      %dma_start3A_13 = arith.constant 0 : i32
      %dma_start3A_14 = arith.constant 0 : i32
      %dma_start3A_15 = tpu.memref_slice %arg19[%dma_start3A_13, %dma_start3A_14] : memref<160x256xf32, #tpu.memory_space<vmem>> -> memref<16x256xf32, #tpu.memory_space<vmem>>
      %dma_start3A_16 = tpu.memref_slice %arg14[%dma_start3A, %mul3A_12] : memref<10x320xi32, #tpu.memory_space<vmem>> -> memref<1x16xi32, #tpu.memory_space<vmem>>
      %dma_start3A_17 = tpu.memref_squeeze %dma_start3A_16 : memref<1x16xi32, #tpu.memory_space<vmem>> -> memref<16xi32, #tpu.memory_space<vmem>>
      %dma_start3A_18 = arith.constant 0 : i32
      %dma_start3A_19 = arith.constant 0 : i32
      %dma_start3A_20 = tpu.memref_slice %arg2[%dma_start3A_18, %dma_start3A_19] : memref<10240x256xf32, #tpu.memory_space<hbm>> -> memref<10240x256xf32, #tpu.memory_space<hbm>>
      tpu.enqueue_indirect_dma source(%dma_start3A_20 : memref<10240x256xf32, #tpu.memory_space<hbm>>) target(%dma_start3A_15 : memref<16x256xf32, #tpu.memory_space<vmem>>) offsets(%dma_start3A_17 : memref<16xi32, #tpu.memory_space<vmem>>) semaphore(%arg25 : memref<!tpu.dma_semaphore, #tpu.memory_space<semaphore_mem>>)
      %dma_start3A_21 = arith.constant 1 : i32
      %dma_start3A_22 = arith.constant 16 : i32
      %dma_start3A_23 = arith.constant 0 : i32
      %dma_start3A_24 = tpu.memref_slice %arg19[%dma_start3A_22, %dma_start3A_23] : memref<160x256xf32, #tpu.memory_space<vmem>> -> memref<16x256xf32, #tpu.memory_space<vmem>>
      %dma_start3A_25 = tpu.memref_slice %arg14[%dma_start3A_21, %mul3A_12] : memref<10x320xi32, #tpu.memory_space<vmem>> -> memref<1x16xi32, #tpu.memory_space<vmem>>
      %dma_start3A_26 = tpu.memref_squeeze %dma_start3A_25 : memref<1x16xi32, #tpu.memory_space<vmem>> -> memref<16xi32, #tpu.memory_space<vmem>>
      %dma_start3A_27 = arith.constant 0 : i32
      %dma_start3A_28 = arith.constant 0 : i32
      %dma_start3A_29 = tpu.memref_slice %arg2[%dma_start3A_27, %dma_start3A_28] : memref<10240x256xf32, #tpu.memory_space<hbm>> -> memref<10240x256xf32, #tpu.memory_space<hbm>>
      tpu.enqueue_indirect_dma source(%dma_start3A_29 : memref<10240x256xf32, #tpu.memory_space<hbm>>) target(%dma_start3A_24 : memref<16x256xf32, #tpu.memory_space<vmem>>) offsets(%dma_start3A_26 : memref<16xi32, #tpu.memory_space<vmem>>) semaphore(%arg25 : memref<!tpu.dma_semaphore, #tpu.memory_space<semaphore_mem>>)
      %dma_start3A_30 = arith.constant 2 : i32
      %dma_start3A_31 = arith.constant 32 : i32
      %dma_start3A_32 = arith.constant 0 : i32
      %dma_start3A_33 = tpu.memref_slice %arg19[%dma_start3A_31, %dma_start3A_32] : memref<160x256xf32, #tpu.memory_space<vmem>> -> memref<16x256xf32, #tpu.memory_space<vmem>>
      %dma_start3A_34 = tpu.memref_slice %arg14[%dma_start3A_30, %mul3A_12] : memref<10x320xi32, #tpu.memory_space<vmem>> -> memref<1x16xi32, #tpu.memory_space<vmem>>
      %dma_start3A_35 = tpu.memref_squeeze %dma_start3A_34 : memref<1x16xi32, #tpu.memory_space<vmem>> -> memref<16xi32, #tpu.memory_space<vmem>>
      %dma_start3A_36 = arith.constant 0 : i32
      %dma_start3A_37 = arith.constant 0 : i32
      %dma_start3A_38 = tpu.memref_slice %arg2[%dma_start3A_36, %dma_start3A_37] : memref<10240x256xf32, #tpu.memory_space<hbm>> -> memref<10240x256xf32, #tpu.memory_space<hbm>>
      tpu.enqueue_indirect_dma source(%dma_start3A_38 : memref<10240x256xf32, #tpu.memory_space<hbm>>) target(%dma_start3A_33 : memref<16x256xf32, #tpu.memory_space<vmem>>) offsets(%dma_start3A_35 : memref<16xi32, #tpu.memory_space<vmem>>) semaphore(%arg25 : memref<!tpu.dma_semaphore, #tpu.memory_space<semaphore_mem>>)
      %dma_start3A_39 = arith.constant 3 : i32
      %dma_start3A_40 = arith.constant 48 : i32
      %dma_start3A_41 = arith.constant 0 : i32
      %dma_start3A_42 = tpu.memref_slice %arg19[%dma_start3A_40, %dma_start3A_41] : memref<160x256xf32, #tpu.memory_space<vmem>> -> memref<16x256xf32, #tpu.memory_space<vmem>>
      %dma_start3A_43 = tpu.memref_slice %arg14[%dma_start3A_39, %mul3A_12] : memref<10x320xi32, #tpu.memory_space<vmem>> -> memref<1x16xi32, #tpu.memory_space<vmem>>
      %dma_start3A_44 = tpu.memref_squeeze %dma_start3A_43 : memref<1x16xi32, #tpu.memory_space<vmem>> -> memref<16xi32, #tpu.memory_space<vmem>>
      %dma_start3A_45 = arith.constant 0 : i32
      %dma_start3A_46 = arith.constant 0 : i32
      %dma_start3A_47 = tpu.memref_slice %arg2[%dma_start3A_45, %dma_start3A_46] : memref<10240x256xf32, #tpu.memory_space<hbm>> -> memref<10240x256xf32, #tpu.memory_space<hbm>>
      tpu.enqueue_indirect_dma source(%dma_start3A_47 : memref<10240x256xf32, #tpu.memory_space<hbm>>) target(%dma_start3A_42 : memref<16x256xf32, #tpu.memory_space<vmem>>) offsets(%dma_start3A_44 : memref<16xi32, #tpu.memory_space<vmem>>) semaphore(%arg25 : memref<!tpu.dma_semaphore, #tpu.memory_space<semaphore_mem>>)
      %dma_start3A_48 = arith.constant 4 : i32
      %dma_start3A_49 = arith.constant 64 : i32
      %dma_start3A_50 = arith.constant 0 : i32
      %dma_start3A_51 = tpu.memref_slice %arg19[%dma_start3A_49, %dma_start3A_50] : memref<160x256xf32, #tpu.memory_space<vmem>> -> memref<16x256xf32, #tpu.memory_space<vmem>>
      %dma_start3A_52 = tpu.memref_slice %arg14[%dma_start3A_48, %mul3A_12] : memref<10x320xi32, #tpu.memory_space<vmem>> -> memref<1x16xi32, #tpu.memory_space<vmem>>
      %dma_start3A_53 = tpu.memref_squeeze %dma_start3A_52 : memref<1x16xi32, #tpu.memory_space<vmem>> -> memref<16xi32, #tpu.memory_space<vmem>>
      %dma_start3A_54 = arith.constant 0 : i32
      %dma_start3A_55 = arith.constant 0 : i32
      %dma_start3A_56 = tpu.memref_slice %arg2[%dma_start3A_54, %dma_start3A_55] : memref<10240x256xf32, #tpu.memory_space<hbm>> -> memref<10240x256xf32, #tpu.memory_space<hbm>>
      tpu.enqueue_indirect_dma source(%dma_start3A_56 : memref<10240x256xf32, #tpu.memory_space<hbm>>) target(%dma_start3A_51 : memref<16x256xf32, #tpu.memory_space<vmem>>) offsets(%dma_start3A_53 : memref<16xi32, #tpu.memory_space<vmem>>) semaphore(%arg25 : memref<!tpu.dma_semaphore, #tpu.memory_space<semaphore_mem>>)
      %dma_start3A_57 = arith.constant 5 : i32
      %dma_start3A_58 = arith.constant 80 : i32
      %dma_start3A_59 = arith.constant 0 : i32
      %dma_start3A_60 = tpu.memref_slice %arg19[%dma_start3A_58, %dma_start3A_59] : memref<160x256xf32, #tpu.memory_space<vmem>> -> memref<16x256xf32, #tpu.memory_space<vmem>>
      %dma_start3A_61 = tpu.memref_slice %arg14[%dma_start3A_57, %mul3A_12] : memref<10x320xi32, #tpu.memory_space<vmem>> -> memref<1x16xi32, #tpu.memory_space<vmem>>
      %dma_start3A_62 = tpu.memref_squeeze %dma_start3A_61 : memref<1x16xi32, #tpu.memory_space<vmem>> -> memref<16xi32, #tpu.memory_space<vmem>>
      %dma_start3A_63 = arith.constant 0 : i32
      %dma_start3A_64 = arith.constant 0 : i32
      %dma_start3A_65 = tpu.memref_slice %arg2[%dma_start3A_63, %dma_start3A_64] : memref<10240x256xf32, #tpu.memory_space<hbm>> -> memref<10240x256xf32, #tpu.memory_space<hbm>>
      tpu.enqueue_indirect_dma source(%dma_start3A_65 : memref<10240x256xf32, #tpu.memory_space<hbm>>) target(%dma_start3A_60 : memref<16x256xf32, #tpu.memory_space<vmem>>) offsets(%dma_start3A_62 : memref<16xi32, #tpu.memory_space<vmem>>) semaphore(%arg25 : memref<!tpu.dma_semaphore, #tpu.memory_space<semaphore_mem>>)
      %dma_start3A_66 = arith.constant 6 : i32
      %dma_start3A_67 = arith.constant 96 : i32
      %dma_start3A_68 = arith.constant 0 : i32
      %dma_start3A_69 = tpu.memref_slice %arg19[%dma_start3A_67, %dma_start3A_68] : memref<160x256xf32, #tpu.memory_space<vmem>> -> memref<16x256xf32, #tpu.memory_space<vmem>>
      %dma_start3A_70 = tpu.memref_slice %arg14[%dma_start3A_66, %mul3A_12] : memref<10x320xi32, #tpu.memory_space<vmem>> -> memref<1x16xi32, #tpu.memory_space<vmem>>
      %dma_start3A_71 = tpu.memref_squeeze %dma_start3A_70 : memref<1x16xi32, #tpu.memory_space<vmem>> -> memref<16xi32, #tpu.memory_space<vmem>>
      %dma_start3A_72 = arith.constant 0 : i32
      %dma_start3A_73 = arith.constant 0 : i32
      %dma_start3A_74 = tpu.memref_slice %arg2[%dma_start3A_72, %dma_start3A_73] : memref<10240x256xf32, #tpu.memory_space<hbm>> -> memref<10240x256xf32, #tpu.memory_space<hbm>>
      tpu.enqueue_indirect_dma source(%dma_start3A_74 : memref<10240x256xf32, #tpu.memory_space<hbm>>) target(%dma_start3A_69 : memref<16x256xf32, #tpu.memory_space<vmem>>) offsets(%dma_start3A_71 : memref<16xi32, #tpu.memory_space<vmem>>) semaphore(%arg25 : memref<!tpu.dma_semaphore, #tpu.memory_space<semaphore_mem>>)
      %dma_start3A_75 = arith.constant 7 : i32
      %dma_start3A_76 = arith.constant 112 : i32
      %dma_start3A_77 = arith.constant 0 : i32
      %dma_start3A_78 = tpu.memref_slice %arg19[%dma_start3A_76, %dma_start3A_77] : memref<160x256xf32, #tpu.memory_space<vmem>> -> memref<16x256xf32, #tpu.memory_space<vmem>>
      %dma_start3A_79 = tpu.memref_slice %arg14[%dma_start3A_75, %mul3A_12] : memref<10x320xi32, #tpu.memory_space<vmem>> -> memref<1x16xi32, #tpu.memory_space<vmem>>
      %dma_start3A_80 = tpu.memref_squeeze %dma_start3A_79 : memref<1x16xi32, #tpu.memory_space<vmem>> -> memref<16xi32, #tpu.memory_space<vmem>>
      %dma_start3A_81 = arith.constant 0 : i32
      %dma_start3A_82 = arith.constant 0 : i32
      %dma_start3A_83 = tpu.memref_slice %arg2[%dma_start3A_81, %dma_start3A_82] : memref<10240x256xf32, #tpu.memory_space<hbm>> -> memref<10240x256xf32, #tpu.memory_space<hbm>>
      tpu.enqueue_indirect_dma source(%dma_start3A_83 : memref<10240x256xf32, #tpu.memory_space<hbm>>) target(%dma_start3A_78 : memref<16x256xf32, #tpu.memory_space<vmem>>) offsets(%dma_start3A_80 : memref<16xi32, #tpu.memory_space<vmem>>) semaphore(%arg25 : memref<!tpu.dma_semaphore, #tpu.memory_space<semaphore_mem>>)
      %dma_start3A_84 = arith.constant 8 : i32
      %dma_start3A_85 = arith.constant 128 : i32
      %dma_start3A_86 = arith.constant 0 : i32
      %dma_start3A_87 = tpu.memref_slice %arg19[%dma_start3A_85, %dma_start3A_86] : memref<160x256xf32, #tpu.memory_space<vmem>> -> memref<16x256xf32, #tpu.memory_space<vmem>>
      %dma_start3A_88 = tpu.memref_slice %arg14[%dma_start3A_84, %mul3A_12] : memref<10x320xi32, #tpu.memory_space<vmem>> -> memref<1x16xi32, #tpu.memory_space<vmem>>
      %dma_start3A_89 = tpu.memref_squeeze %dma_start3A_88 : memref<1x16xi32, #tpu.memory_space<vmem>> -> memref<16xi32, #tpu.memory_space<vmem>>
      %dma_start3A_90 = arith.constant 0 : i32
      %dma_start3A_91 = arith.constant 0 : i32
      %dma_start3A_92 = tpu.memref_slice %arg2[%dma_start3A_90, %dma_start3A_91] : memref<10240x256xf32, #tpu.memory_space<hbm>> -> memref<10240x256xf32, #tpu.memory_space<hbm>>
      tpu.enqueue_indirect_dma source(%dma_start3A_92 : memref<10240x256xf32, #tpu.memory_space<hbm>>) target(%dma_start3A_87 : memref<16x256xf32, #tpu.memory_space<vmem>>) offsets(%dma_start3A_89 : memref<16xi32, #tpu.memory_space<vmem>>) semaphore(%arg25 : memref<!tpu.dma_semaphore, #tpu.memory_space<semaphore_mem>>)
      %dma_start3A_93 = arith.constant 9 : i32
      %dma_start3A_94 = arith.constant 144 : i32
      %dma_start3A_95 = arith.constant 0 : i32
      %dma_start3A_96 = tpu.memref_slice %arg19[%dma_start3A_94, %dma_start3A_95] : memref<160x256xf32, #tpu.memory_space<vmem>> -> memref<16x256xf32, #tpu.memory_space<vmem>>
      %dma_start3A_97 = tpu.memref_slice %arg14[%dma_start3A_93, %mul3A_12] : memref<10x320xi32, #tpu.memory_space<vmem>> -> memref<1x16xi32, #tpu.memory_space<vmem>>
      %dma_start3A_98 = tpu.memref_squeeze %dma_start3A_97 : memref<1x16xi32, #tpu.memory_space<vmem>> -> memref<16xi32, #tpu.memory_space<vmem>>
      %dma_start3A_99 = arith.constant 0 : i32
      %dma_start3A_100 = arith.constant 0 : i32
      %dma_start3A_101 = tpu.memref_slice %arg2[%dma_start3A_99, %dma_start3A_100] : memref<10240x256xf32, #tpu.memory_space<hbm>> -> memref<10240x256xf32, #tpu.memory_space<hbm>>
      tpu.enqueue_indirect_dma source(%dma_start3A_101 : memref<10240x256xf32, #tpu.memory_space<hbm>>) target(%dma_start3A_96 : memref<16x256xf32, #tpu.memory_space<vmem>>) offsets(%dma_start3A_98 : memref<16xi32, #tpu.memory_space<vmem>>) semaphore(%arg25 : memref<!tpu.dma_semaphore, #tpu.memory_space<semaphore_mem>>)
      %dma_start3A_102 = arith.constant 0 : i32
      %dma_start3A_103 = arith.constant 0 : i32
      %dma_start3A_104 = arith.constant 0 : i32
      %dma_start3A_105 = tpu.memref_slice %arg20[%dma_start3A_103, %dma_start3A_104] : memref<160x256xf32, #tpu.memory_space<vmem>> -> memref<16x256xf32, #tpu.memory_space<vmem>>
      %dma_start3A_106 = tpu.memref_slice %arg15[%dma_start3A_102, %mul3A_12] : memref<10x320xi32, #tpu.memory_space<vmem>> -> memref<1x16xi32, #tpu.memory_space<vmem>>
      %dma_start3A_107 = tpu.memref_squeeze %dma_start3A_106 : memref<1x16xi32, #tpu.memory_space<vmem>> -> memref<16xi32, #tpu.memory_space<vmem>>
      %dma_start3A_108 = arith.constant 0 : i32
      %dma_start3A_109 = arith.constant 0 : i32
      %dma_start3A_110 = tpu.memref_slice %arg2[%dma_start3A_108, %dma_start3A_109] : memref<10240x256xf32, #tpu.memory_space<hbm>> -> memref<10240x256xf32, #tpu.memory_space<hbm>>
      tpu.enqueue_indirect_dma source(%dma_start3A_110 : memref<10240x256xf32, #tpu.memory_space<hbm>>) target(%dma_start3A_105 : memref<16x256xf32, #tpu.memory_space<vmem>>) offsets(%dma_start3A_107 : memref<16xi32, #tpu.memory_space<vmem>>) semaphore(%arg25 : memref<!tpu.dma_semaphore, #tpu.memory_space<semaphore_mem>>)
      %dma_start3A_111 = arith.constant 1 : i32
      %dma_start3A_112 = arith.constant 16 : i32
      %dma_start3A_113 = arith.constant 0 : i32
      %dma_start3A_114 = tpu.memref_slice %arg20[%dma_start3A_112, %dma_start3A_113] : memref<160x256xf32, #tpu.memory_space<vmem>> -> memref<16x256xf32, #tpu.memory_space<vmem>>
      %dma_start3A_115 = tpu.memref_slice %arg15[%dma_start3A_111, %mul3A_12] : memref<10x320xi32, #tpu.memory_space<vmem>> -> memref<1x16xi32, #tpu.memory_space<vmem>>
      %dma_start3A_116 = tpu.memref_squeeze %dma_start3A_115 : memref<1x16xi32, #tpu.memory_space<vmem>> -> memref<16xi32, #tpu.memory_space<vmem>>
      %dma_start3A_117 = arith.constant 0 : i32
      %dma_start3A_118 = arith.constant 0 : i32
      %dma_start3A_119 = tpu.memref_slice %arg2[%dma_start3A_117, %dma_start3A_118] : memref<10240x256xf32, #tpu.memory_space<hbm>> -> memref<10240x256xf32, #tpu.memory_space<hbm>>
      tpu.enqueue_indirect_dma source(%dma_start3A_119 : memref<10240x256xf32, #tpu.memory_space<hbm>>) target(%dma_start3A_114 : memref<16x256xf32, #tpu.memory_space<vmem>>) offsets(%dma_start3A_116 : memref<16xi32, #tpu.memory_space<vmem>>) semaphore(%arg25 : memref<!tpu.dma_semaphore, #tpu.memory_space<semaphore_mem>>)
      %dma_start3A_120 = arith.constant 2 : i32
      %dma_start3A_121 = arith.constant 32 : i32
      %dma_start3A_122 = arith.constant 0 : i32
      %dma_start3A_123 = tpu.memref_slice %arg20[%dma_start3A_121, %dma_start3A_122] : memref<160x256xf32, #tpu.memory_space<vmem>> -> memref<16x256xf32, #tpu.memory_space<vmem>>
      %dma_start3A_124 = tpu.memref_slice %arg15[%dma_start3A_120, %mul3A_12] : memref<10x320xi32, #tpu.memory_space<vmem>> -> memref<1x16xi32, #tpu.memory_space<vmem>>
      %dma_start3A_125 = tpu.memref_squeeze %dma_start3A_124 : memref<1x16xi32, #tpu.memory_space<vmem>> -> memref<16xi32, #tpu.memory_space<vmem>>
      %dma_start3A_126 = arith.constant 0 : i32
      %dma_start3A_127 = arith.constant 0 : i32
      %dma_start3A_128 = tpu.memref_slice %arg2[%dma_start3A_126, %dma_start3A_127] : memref<10240x256xf32, #tpu.memory_space<hbm>> -> memref<10240x256xf32, #tpu.memory_space<hbm>>
      tpu.enqueue_indirect_dma source(%dma_start3A_128 : memref<10240x256xf32, #tpu.memory_space<hbm>>) target(%dma_start3A_123 : memref<16x256xf32, #tpu.memory_space<vmem>>) offsets(%dma_start3A_125 : memref<16xi32, #tpu.memory_space<vmem>>) semaphore(%arg25 : memref<!tpu.dma_semaphore, #tpu.memory_space<semaphore_mem>>)
      %dma_start3A_129 = arith.constant 3 : i32
      %dma_start3A_130 = arith.constant 48 : i32
      %dma_start3A_131 = arith.constant 0 : i32
      %dma_start3A_132 = tpu.memref_slice %arg20[%dma_start3A_130, %dma_start3A_131] : memref<160x256xf32, #tpu.memory_space<vmem>> -> memref<16x256xf32, #tpu.memory_space<vmem>>
      %dma_start3A_133 = tpu.memref_slice %arg15[%dma_start3A_129, %mul3A_12] : memref<10x320xi32, #tpu.memory_space<vmem>> -> memref<1x16xi32, #tpu.memory_space<vmem>>
      %dma_start3A_134 = tpu.memref_squeeze %dma_start3A_133 : memref<1x16xi32, #tpu.memory_space<vmem>> -> memref<16xi32, #tpu.memory_space<vmem>>
      %dma_start3A_135 = arith.constant 0 : i32
      %dma_start3A_136 = arith.constant 0 : i32
      %dma_start3A_137 = tpu.memref_slice %arg2[%dma_start3A_135, %dma_start3A_136] : memref<10240x256xf32, #tpu.memory_space<hbm>> -> memref<10240x256xf32, #tpu.memory_space<hbm>>
      tpu.enqueue_indirect_dma source(%dma_start3A_137 : memref<10240x256xf32, #tpu.memory_space<hbm>>) target(%dma_start3A_132 : memref<16x256xf32, #tpu.memory_space<vmem>>) offsets(%dma_start3A_134 : memref<16xi32, #tpu.memory_space<vmem>>) semaphore(%arg25 : memref<!tpu.dma_semaphore, #tpu.memory_space<semaphore_mem>>)
      %dma_start3A_138 = arith.constant 4 : i32
      %dma_start3A_139 = arith.constant 64 : i32
      %dma_start3A_140 = arith.constant 0 : i32
      %dma_start3A_141 = tpu.memref_slice %arg20[%dma_start3A_139, %dma_start3A_140] : memref<160x256xf32, #tpu.memory_space<vmem>> -> memref<16x256xf32, #tpu.memory_space<vmem>>
      %dma_start3A_142 = tpu.memref_slice %arg15[%dma_start3A_138, %mul3A_12] : memref<10x320xi32, #tpu.memory_space<vmem>> -> memref<1x16xi32, #tpu.memory_space<vmem>>
      %dma_start3A_143 = tpu.memref_squeeze %dma_start3A_142 : memref<1x16xi32, #tpu.memory_space<vmem>> -> memref<16xi32, #tpu.memory_space<vmem>>
      %dma_start3A_144 = arith.constant 0 : i32
      %dma_start3A_145 = arith.constant 0 : i32
      %dma_start3A_146 = tpu.memref_slice %arg2[%dma_start3A_144, %dma_start3A_145] : memref<10240x256xf32, #tpu.memory_space<hbm>> -> memref<10240x256xf32, #tpu.memory_space<hbm>>
      tpu.enqueue_indirect_dma source(%dma_start3A_146 : memref<10240x256xf32, #tpu.memory_space<hbm>>) target(%dma_start3A_141 : memref<16x256xf32, #tpu.memory_space<vmem>>) offsets(%dma_start3A_143 : memref<16xi32, #tpu.memory_space<vmem>>) semaphore(%arg25 : memref<!tpu.dma_semaphore, #tpu.memory_space<semaphore_mem>>)
      %dma_start3A_147 = arith.constant 5 : i32
      %dma_start3A_148 = arith.constant 80 : i32
      %dma_start3A_149 = arith.constant 0 : i32
      %dma_start3A_150 = tpu.memref_slice %arg20[%dma_start3A_148, %dma_start3A_149] : memref<160x256xf32, #tpu.memory_space<vmem>> -> memref<16x256xf32, #tpu.memory_space<vmem>>
      %dma_start3A_151 = tpu.memref_slice %arg15[%dma_start3A_147, %mul3A_12] : memref<10x320xi32, #tpu.memory_space<vmem>> -> memref<1x16xi32, #tpu.memory_space<vmem>>
      %dma_start3A_152 = tpu.memref_squeeze %dma_start3A_151 : memref<1x16xi32, #tpu.memory_space<vmem>> -> memref<16xi32, #tpu.memory_space<vmem>>
      %dma_start3A_153 = arith.constant 0 : i32
      %dma_start3A_154 = arith.constant 0 : i32
      %dma_start3A_155 = tpu.memref_slice %arg2[%dma_start3A_153, %dma_start3A_154] : memref<10240x256xf32, #tpu.memory_space<hbm>> -> memref<10240x256xf32, #tpu.memory_space<hbm>>
      tpu.enqueue_indirect_dma source(%dma_start3A_155 : memref<10240x256xf32, #tpu.memory_space<hbm>>) target(%dma_start3A_150 : memref<16x256xf32, #tpu.memory_space<vmem>>) offsets(%dma_start3A_152 : memref<16xi32, #tpu.memory_space<vmem>>) semaphore(%arg25 : memref<!tpu.dma_semaphore, #tpu.memory_space<semaphore_mem>>)
      %dma_start3A_156 = arith.constant 6 : i32
      %dma_start3A_157 = arith.constant 96 : i32
      %dma_start3A_158 = arith.constant 0 : i32
      %dma_start3A_159 = tpu.memref_slice %arg20[%dma_start3A_157, %dma_start3A_158] : memref<160x256xf32, #tpu.memory_space<vmem>> -> memref<16x256xf32, #tpu.memory_space<vmem>>
      %dma_start3A_160 = tpu.memref_slice %arg15[%dma_start3A_156, %mul3A_12] : memref<10x320xi32, #tpu.memory_space<vmem>> -> memref<1x16xi32, #tpu.memory_space<vmem>>
      %dma_start3A_161 = tpu.memref_squeeze %dma_start3A_160 : memref<1x16xi32, #tpu.memory_space<vmem>> -> memref<16xi32, #tpu.memory_space<vmem>>
      %dma_start3A_162 = arith.constant 0 : i32
      %dma_start3A_163 = arith.constant 0 : i32
      %dma_start3A_164 = tpu.memref_slice %arg2[%dma_start3A_162, %dma_start3A_163] : memref<10240x256xf32, #tpu.memory_space<hbm>> -> memref<10240x256xf32, #tpu.memory_space<hbm>>
      tpu.enqueue_indirect_dma source(%dma_start3A_164 : memref<10240x256xf32, #tpu.memory_space<hbm>>) target(%dma_start3A_159 : memref<16x256xf32, #tpu.memory_space<vmem>>) offsets(%dma_start3A_161 : memref<16xi32, #tpu.memory_space<vmem>>) semaphore(%arg25 : memref<!tpu.dma_semaphore, #tpu.memory_space<semaphore_mem>>)
      %dma_start3A_165 = arith.constant 7 : i32
      %dma_start3A_166 = arith.constant 112 : i32
      %dma_start3A_167 = arith.constant 0 : i32
      %dma_start3A_168 = tpu.memref_slice %arg20[%dma_start3A_166, %dma_start3A_167] : memref<160x256xf32, #tpu.memory_space<vmem>> -> memref<16x256xf32, #tpu.memory_space<vmem>>
      %dma_start3A_169 = tpu.memref_slice %arg15[%dma_start3A_165, %mul3A_12] : memref<10x320xi32, #tpu.memory_space<vmem>> -> memref<1x16xi32, #tpu.memory_space<vmem>>
      %dma_start3A_170 = tpu.memref_squeeze %dma_start3A_169 : memref<1x16xi32, #tpu.memory_space<vmem>> -> memref<16xi32, #tpu.memory_space<vmem>>
      %dma_start3A_171 = arith.constant 0 : i32
      %dma_start3A_172 = arith.constant 0 : i32
      %dma_start3A_173 = tpu.memref_slice %arg2[%dma_start3A_171, %dma_start3A_172] : memref<10240x256xf32, #tpu.memory_space<hbm>> -> memref<10240x256xf32, #tpu.memory_space<hbm>>
      tpu.enqueue_indirect_dma source(%dma_start3A_173 : memref<10240x256xf32, #tpu.memory_space<hbm>>) target(%dma_start3A_168 : memref<16x256xf32, #tpu.memory_space<vmem>>) offsets(%dma_start3A_170 : memref<16xi32, #tpu.memory_space<vmem>>) semaphore(%arg25 : memref<!tpu.dma_semaphore, #tpu.memory_space<semaphore_mem>>)
      %dma_start3A_174 = arith.constant 8 : i32
      %dma_start3A_175 = arith.constant 128 : i32
      %dma_start3A_176 = arith.constant 0 : i32
      %dma_start3A_177 = tpu.memref_slice %arg20[%dma_start3A_175, %dma_start3A_176] : memref<160x256xf32, #tpu.memory_space<vmem>> -> memref<16x256xf32, #tpu.memory_space<vmem>>
      %dma_start3A_178 = tpu.memref_slice %arg15[%dma_start3A_174, %mul3A_12] : memref<10x320xi32, #tpu.memory_space<vmem>> -> memref<1x16xi32, #tpu.memory_space<vmem>>
      %dma_start3A_179 = tpu.memref_squeeze %dma_start3A_178 : memref<1x16xi32, #tpu.memory_space<vmem>> -> memref<16xi32, #tpu.memory_space<vmem>>
      %dma_start3A_180 = arith.constant 0 : i32
      %dma_start3A_181 = arith.constant 0 : i32
      %dma_start3A_182 = tpu.memref_slice %arg2[%dma_start3A_180, %dma_start3A_181] : memref<10240x256xf32, #tpu.memory_space<hbm>> -> memref<10240x256xf32, #tpu.memory_space<hbm>>
      tpu.enqueue_indirect_dma source(%dma_start3A_182 : memref<10240x256xf32, #tpu.memory_space<hbm>>) target(%dma_start3A_177 : memref<16x256xf32, #tpu.memory_space<vmem>>) offsets(%dma_start3A_179 : memref<16xi32, #tpu.memory_space<vmem>>) semaphore(%arg25 : memref<!tpu.dma_semaphore, #tpu.memory_space<semaphore_mem>>)
      %dma_start3A_183 = arith.constant 9 : i32
      %dma_start3A_184 = arith.constant 144 : i32
      %dma_start3A_185 = arith.constant 0 : i32
      %dma_start3A_186 = tpu.memref_slice %arg20[%dma_start3A_184, %dma_start3A_185] : memref<160x256xf32, #tpu.memory_space<vmem>> -> memref<16x256xf32, #tpu.memory_space<vmem>>
      %dma_start3A_187 = tpu.memref_slice %arg15[%dma_start3A_183, %mul3A_12] : memref<10x320xi32, #tpu.memory_space<vmem>> -> memref<1x16xi32, #tpu.memory_space<vmem>>
      %dma_start3A_188 = tpu.memref_squeeze %dma_start3A_187 : memref<1x16xi32, #tpu.memory_space<vmem>> -> memref<16xi32, #tpu.memory_space<vmem>>
      %dma_start3A_189 = arith.constant 0 : i32
      %dma_start3A_190 = arith.constant 0 : i32
      %dma_start3A_191 = tpu.memref_slice %arg2[%dma_start3A_189, %dma_start3A_190] : memref<10240x256xf32, #tpu.memory_space<hbm>> -> memref<10240x256xf32, #tpu.memory_space<hbm>>
      tpu.enqueue_indirect_dma source(%dma_start3A_191 : memref<10240x256xf32, #tpu.memory_space<hbm>>) target(%dma_start3A_186 : memref<16x256xf32, #tpu.memory_space<vmem>>) offsets(%dma_start3A_188 : memref<16xi32, #tpu.memory_space<vmem>>) semaphore(%arg25 : memref<!tpu.dma_semaphore, #tpu.memory_space<semaphore_mem>>)
      %add3A_192 = arith.addi %mul3A_2, %mul3A_12 : i32
      %dma_start3A_193 = arith.constant 0 : i32
      %dma_start3A_194 = tpu.memref_slice %arg10[%add3A_192, %dma_start3A_193] : memref<10240x256xf32, #tpu.memory_space<hbm>> -> memref<16x256xf32, #tpu.memory_space<hbm>>
      %dma_start3A_195 = arith.constant 0 : i32
      %dma_start3A_196 = tpu.memref_slice %arg10[%add3A_192, %dma_start3A_195] : memref<10240x256xf32, #tpu.memory_space<hbm>> -> memref<16x256xf32, #tpu.memory_space<hbm>>
      tpu.enqueue_dma source(%dma_start3A_196 : memref<16x256xf32, #tpu.memory_space<hbm>>) target(%arg23 : memref<16x256xf32, #tpu.memory_space<vmem>>) target_semaphore(%arg26 : memref<!tpu.dma_semaphore, #tpu.memory_space<semaphore_mem>>)
      %get3A = arith.index_cast %mul3A_12 : i32 to index
      %get3A_197 = tpu.vector_load %arg13[%get3A] {strides = array<i32>} : memref<320xf32, #tpu.memory_space<vmem>>, vector<16xf32>,
      %get3A_198 = arith.constant 0 : i32
      %get3A_199 = arith.index_cast %get3A_198 : i32 to index
      %get3A_200 = arith.index_cast %mul3A_12 : i32 to index
      %get3A_201 = tpu.vector_load %arg14[%get3A_199, %get3A_200] {strides = array<i32>} : memref<10x320xi32, #tpu.memory_space<vmem>>, vector<16xi32>,
      %gather3A = tpu.vector_load_idx %arg12[%get3A_201] : memref<10240xf32, #tpu.memory_space<vmem>>[vector<16xi32>], vector<16xf32>,
      %add3A_202 = arith.addf %gather3A, %get3A_197 : vector<16xf32>
      %get3A_203 = arith.constant 0 : i32
      %get3A_204 = arith.index_cast %get3A_203 : i32 to index
      %get3A_205 = arith.index_cast %mul3A_12 : i32 to index
      %get3A_206 = tpu.vector_load %arg16[%get3A_204, %get3A_205] {strides = array<i32>} : memref<10x320xf32, #tpu.memory_space<vmem>>, vector<16xf32>,
      %mul3A_207 = arith.mulf %add3A_202, %get3A_206 : vector<16xf32>
      %get3A_208 = arith.constant 1 : i32
      %get3A_209 = arith.index_cast %get3A_208 : i32 to index
      %get3A_210 = arith.index_cast %mul3A_12 : i32 to index
      %get3A_211 = tpu.vector_load %arg14[%get3A_209, %get3A_210] {strides = array<i32>} : memref<10x320xi32, #tpu.memory_space<vmem>>, vector<16xi32>,
      %gather3A_212 = tpu.vector_load_idx %arg12[%get3A_211] : memref<10240xf32, #tpu.memory_space<vmem>>[vector<16xi32>], vector<16xf32>,
      %add3A_213 = arith.addf %gather3A_212, %get3A_197 : vector<16xf32>
      %get3A_214 = arith.constant 1 : i32
      %get3A_215 = arith.index_cast %get3A_214 : i32 to index
      %get3A_216 = arith.index_cast %mul3A_12 : i32 to index
      %get3A_217 = tpu.vector_load %arg16[%get3A_215, %get3A_216] {strides = array<i32>} : memref<10x320xf32, #tpu.memory_space<vmem>>, vector<16xf32>,
      %mul3A_218 = arith.mulf %add3A_213, %get3A_217 : vector<16xf32>
      %max3A = arith.maximumf %mul3A_207, %mul3A_218 : vector<16xf32>
      %get3A_219 = arith.constant 2 : i32
      %get3A_220 = arith.index_cast %get3A_219 : i32 to index
      %get3A_221 = arith.index_cast %mul3A_12 : i32 to index
      %get3A_222 = tpu.vector_load %arg14[%get3A_220, %get3A_221] {strides = array<i32>} : memref<10x320xi32, #tpu.memory_space<vmem>>, vector<16xi32>,
      %gather3A_223 = tpu.vector_load_idx %arg12[%get3A_222] : memref<10240xf32, #tpu.memory_space<vmem>>[vector<16xi32>], vector<16xf32>,
      %add3A_224 = arith.addf %gather3A_223, %get3A_197 : vector<16xf32>
      %get3A_225 = arith.constant 2 : i32
      %get3A_226 = arith.index_cast %get3A_225 : i32 to index
      %get3A_227 = arith.index_cast %mul3A_12 : i32 to index
      %get3A_228 = tpu.vector_load %arg16[%get3A_226, %get3A_227] {strides = array<i32>} : memref<10x320xf32, #tpu.memory_space<vmem>>, vector<16xf32>,
      %mul3A_229 = arith.mulf %add3A_224, %get3A_228 : vector<16xf32>
      %max3A_230 = arith.maximumf %max3A, %mul3A_229 : vector<16xf32>
      %get3A_231 = arith.constant 3 : i32
      %get3A_232 = arith.index_cast %get3A_231 : i32 to index
      %get3A_233 = arith.index_cast %mul3A_12 : i32 to index
      %get3A_234 = tpu.vector_load %arg14[%get3A_232, %get3A_233] {strides = array<i32>} : memref<10x320xi32, #tpu.memory_space<vmem>>, vector<16xi32>,
      %gather3A_235 = tpu.vector_load_idx %arg12[%get3A_234] : memref<10240xf32, #tpu.memory_space<vmem>>[vector<16xi32>], vector<16xf32>,
      %add3A_236 = arith.addf %gather3A_235, %get3A_197 : vector<16xf32>
      %get3A_237 = arith.constant 3 : i32
      %get3A_238 = arith.index_cast %get3A_237 : i32 to index
      %get3A_239 = arith.index_cast %mul3A_12 : i32 to index
      %get3A_240 = tpu.vector_load %arg16[%get3A_238, %get3A_239] {strides = array<i32>} : memref<10x320xf32, #tpu.memory_space<vmem>>, vector<16xf32>,
      %mul3A_241 = arith.mulf %add3A_236, %get3A_240 : vector<16xf32>
      %max3A_242 = arith.maximumf %max3A_230, %mul3A_241 : vector<16xf32>
      %get3A_243 = arith.constant 4 : i32
      %get3A_244 = arith.index_cast %get3A_243 : i32 to index
      %get3A_245 = arith.index_cast %mul3A_12 : i32 to index
      %get3A_246 = tpu.vector_load %arg14[%get3A_244, %get3A_245] {strides = array<i32>} : memref<10x320xi32, #tpu.memory_space<vmem>>, vector<16xi32>,
      %gather3A_247 = tpu.vector_load_idx %arg12[%get3A_246] : memref<10240xf32, #tpu.memory_space<vmem>>[vector<16xi32>], vector<16xf32>,
      %add3A_248 = arith.addf %gather3A_247, %get3A_197 : vector<16xf32>
      %get3A_249 = arith.constant 4 : i32
      %get3A_250 = arith.index_cast %get3A_249 : i32 to index
      %get3A_251 = arith.index_cast %mul3A_12 : i32 to index
      %get3A_252 = tpu.vector_load %arg16[%get3A_250, %get3A_251] {strides = array<i32>} : memref<10x320xf32, #tpu.memory_space<vmem>>, vector<16xf32>,
      %mul3A_253 = arith.mulf %add3A_248, %get3A_252 : vector<16xf32>
      %max3A_254 = arith.maximumf %max3A_242, %mul3A_253 : vector<16xf32>
      %get3A_255 = arith.constant 5 : i32
      %get3A_256 = arith.index_cast %get3A_255 : i32 to index
      %get3A_257 = arith.index_cast %mul3A_12 : i32 to index
      %get3A_258 = tpu.vector_load %arg14[%get3A_256, %get3A_257] {strides = array<i32>} : memref<10x320xi32, #tpu.memory_space<vmem>>, vector<16xi32>,
      %gather3A_259 = tpu.vector_load_idx %arg12[%get3A_258] : memref<10240xf32, #tpu.memory_space<vmem>>[vector<16xi32>], vector<16xf32>,
      %add3A_260 = arith.addf %gather3A_259, %get3A_197 : vector<16xf32>
      %get3A_261 = arith.constant 5 : i32
      %get3A_262 = arith.index_cast %get3A_261 : i32 to index
      %get3A_263 = arith.index_cast %mul3A_12 : i32 to index
      %get3A_264 = tpu.vector_load %arg16[%get3A_262, %get3A_263] {strides = array<i32>} : memref<10x320xf32, #tpu.memory_space<vmem>>, vector<16xf32>,
      %mul3A_265 = arith.mulf %add3A_260, %get3A_264 : vector<16xf32>
      %max3A_266 = arith.maximumf %max3A_254, %mul3A_265 : vector<16xf32>
      %get3A_267 = arith.constant 6 : i32
      %get3A_268 = arith.index_cast %get3A_267 : i32 to index
      %get3A_269 = arith.index_cast %mul3A_12 : i32 to index
      %get3A_270 = tpu.vector_load %arg14[%get3A_268, %get3A_269] {strides = array<i32>} : memref<10x320xi32, #tpu.memory_space<vmem>>, vector<16xi32>,
      %gather3A_271 = tpu.vector_load_idx %arg12[%get3A_270] : memref<10240xf32, #tpu.memory_space<vmem>>[vector<16xi32>], vector<16xf32>,
      %add3A_272 = arith.addf %gather3A_271, %get3A_197 : vector<16xf32>
      %get3A_273 = arith.constant 6 : i32
      %get3A_274 = arith.index_cast %get3A_273 : i32 to index
      %get3A_275 = arith.index_cast %mul3A_12 : i32 to index
      %get3A_276 = tpu.vector_load %arg16[%get3A_274, %get3A_275] {strides = array<i32>} : memref<10x320xf32, #tpu.memory_space<vmem>>, vector<16xf32>,
      %mul3A_277 = arith.mulf %add3A_272, %get3A_276 : vector<16xf32>
      %max3A_278 = arith.maximumf %max3A_266, %mul3A_277 : vector<16xf32>
      %get3A_279 = arith.constant 7 : i32
      %get3A_280 = arith.index_cast %get3A_279 : i32 to index
      %get3A_281 = arith.index_cast %mul3A_12 : i32 to index
      %get3A_282 = tpu.vector_load %arg14[%get3A_280, %get3A_281] {strides = array<i32>} : memref<10x320xi32, #tpu.memory_space<vmem>>, vector<16xi32>,
      %gather3A_283 = tpu.vector_load_idx %arg12[%get3A_282] : memref<10240xf32, #tpu.memory_space<vmem>>[vector<16xi32>], vector<16xf32>,
      %add3A_284 = arith.addf %gather3A_283, %get3A_197 : vector<16xf32>
      %get3A_285 = arith.constant 7 : i32
      %get3A_286 = arith.index_cast %get3A_285 : i32 to index
      %get3A_287 = arith.index_cast %mul3A_12 : i32 to index
      %get3A_288 = tpu.vector_load %arg16[%get3A_286, %get3A_287] {strides = array<i32>} : memref<10x320xf32, #tpu.memory_space<vmem>>, vector<16xf32>,
      %mul3A_289 = arith.mulf %add3A_284, %get3A_288 : vector<16xf32>
      %max3A_290 = arith.maximumf %max3A_278, %mul3A_289 : vector<16xf32>
      %get3A_291 = arith.constant 8 : i32
      %get3A_292 = arith.index_cast %get3A_291 : i32 to index
      %get3A_293 = arith.index_cast %mul3A_12 : i32 to index
      %get3A_294 = tpu.vector_load %arg14[%get3A_292, %get3A_293] {strides = array<i32>} : memref<10x320xi32, #tpu.memory_space<vmem>>, vector<16xi32>,
      %gather3A_295 = tpu.vector_load_idx %arg12[%get3A_294] : memref<10240xf32, #tpu.memory_space<vmem>>[vector<16xi32>], vector<16xf32>,
      %add3A_296 = arith.addf %gather3A_295, %get3A_197 : vector<16xf32>
      %get3A_297 = arith.constant 8 : i32
      %get3A_298 = arith.index_cast %get3A_297 : i32 to index
      %get3A_299 = arith.index_cast %mul3A_12 : i32 to index
      %get3A_300 = tpu.vector_load %arg16[%get3A_298, %get3A_299] {strides = array<i32>} : memref<10x320xf32, #tpu.memory_space<vmem>>, vector<16xf32>,
      %mul3A_301 = arith.mulf %add3A_296, %get3A_300 : vector<16xf32>
      %max3A_302 = arith.maximumf %max3A_290, %mul3A_301 : vector<16xf32>
      %get3A_303 = arith.constant 9 : i32
      %get3A_304 = arith.index_cast %get3A_303 : i32 to index
      %get3A_305 = arith.index_cast %mul3A_12 : i32 to index
      %get3A_306 = tpu.vector_load %arg14[%get3A_304, %get3A_305] {strides = array<i32>} : memref<10x320xi32, #tpu.memory_space<vmem>>, vector<16xi32>,
      %gather3A_307 = tpu.vector_load_idx %arg12[%get3A_306] : memref<10240xf32, #tpu.memory_space<vmem>>[vector<16xi32>], vector<16xf32>,
      %add3A_308 = arith.addf %gather3A_307, %get3A_197 : vector<16xf32>
      %get3A_309 = arith.constant 9 : i32
      %get3A_310 = arith.index_cast %get3A_309 : i32 to index
      %get3A_311 = arith.index_cast %mul3A_12 : i32 to index
      %get3A_312 = tpu.vector_load %arg16[%get3A_310, %get3A_311] {strides = array<i32>} : memref<10x320xf32, #tpu.memory_space<vmem>>, vector<16xf32>,
      %mul3A_313 = arith.mulf %add3A_308, %get3A_312 : vector<16xf32>
      %max3A_314 = arith.maximumf %max3A_302, %mul3A_313 : vector<16xf32>
      %sub3A = arith.subf %mul3A_207, %max3A_314 : vector<16xf32>
      %exp3A = math.exp %sub3A : vector<16xf32>
      %sub3A_315 = arith.subf %mul3A_218, %max3A_314 : vector<16xf32>
      %exp3A_316 = math.exp %sub3A_315 : vector<16xf32>
      %add3A_317 = arith.addf %exp3A, %exp3A_316 : vector<16xf32>
      %sub3A_318 = arith.subf %mul3A_229, %max3A_314 : vector<16xf32>
      %exp3A_319 = math.exp %sub3A_318 : vector<16xf32>
      %add3A_320 = arith.addf %add3A_317, %exp3A_319 : vector<16xf32>
      %sub3A_321 = arith.subf %mul3A_241, %max3A_314 : vector<16xf32>
      %exp3A_322 = math.exp %sub3A_321 : vector<16xf32>
      %add3A_323 = arith.addf %add3A_320, %exp3A_322 : vector<16xf32>
      %sub3A_324 = arith.subf %mul3A_253, %max3A_314 : vector<16xf32>
      %exp3A_325 = math.exp %sub3A_324 : vector<16xf32>
      %add3A_326 = arith.addf %add3A_323, %exp3A_325 : vector<16xf32>
      %sub3A_327 = arith.subf %mul3A_265, %max3A_314 : vector<16xf32>
      %exp3A_328 = math.exp %sub3A_327 : vector<16xf32>
      %add3A_329 = arith.addf %add3A_326, %exp3A_328 : vector<16xf32>
      %sub3A_330 = arith.subf %mul3A_277, %max3A_314 : vector<16xf32>
      %exp3A_331 = math.exp %sub3A_330 : vector<16xf32>
      %add3A_332 = arith.addf %add3A_329, %exp3A_331 : vector<16xf32>
      %sub3A_333 = arith.subf %mul3A_289, %max3A_314 : vector<16xf32>
      %exp3A_334 = math.exp %sub3A_333 : vector<16xf32>
      %add3A_335 = arith.addf %add3A_332, %exp3A_334 : vector<16xf32>
      %sub3A_336 = arith.subf %mul3A_301, %max3A_314 : vector<16xf32>
      %exp3A_337 = math.exp %sub3A_336 : vector<16xf32>
      %add3A_338 = arith.addf %add3A_335, %exp3A_337 : vector<16xf32>
      %sub3A_339 = arith.subf %mul3A_313, %max3A_314 : vector<16xf32>
      %exp3A_340 = math.exp %sub3A_339 : vector<16xf32>
      %add3A_341 = arith.addf %add3A_338, %exp3A_340 : vector<16xf32>
      %mul3A_342 = arith.constant 1.000000e+01 : f32
      %mul3A_343 = vector.broadcast %mul3A_342 : f32 to vector<16xf32>
      %mul3A_344 = arith.mulf %mul3A_343, %add3A_341 : vector<16xf32>
      %div3A = arith.constant 1.000000e+00 : f32
      %div3A_345 = vector.broadcast %div3A : f32 to vector<16xf32>
      %div3A_346 = arith.divf %div3A_345, %mul3A_344 : vector<16xf32>
      %mul3A_347 = arith.mulf %exp3A, %div3A_346 : vector<16xf32>
      %swap3A = arith.constant 0 : index
      %swap3A_348 = tpu.vector_load %arg21[%swap3A] {strides = array<i32>} : memref<160xf32, #tpu.memory_space<vmem>>, vector<16xf32>,
      tpu.vector_store %arg21[%swap3A], %mul3A_347 {strides = array<i32>} : memref<160xf32, #tpu.memory_space<vmem>>, vector<16xf32>,
      %mul3A_349 = arith.mulf %exp3A_316, %div3A_346 : vector<16xf32>
      %swap3A_350 = arith.constant 16 : index
      %swap3A_351 = tpu.vector_load %arg21[%swap3A_350] {strides = array<i32>} : memref<160xf32, #tpu.memory_space<vmem>>, vector<16xf32>,
      tpu.vector_store %arg21[%swap3A_350], %mul3A_349 {strides = array<i32>} : memref<160xf32, #tpu.memory_space<vmem>>, vector<16xf32>,
      %mul3A_352 = arith.mulf %exp3A_319, %div3A_346 : vector<16xf32>
      %swap3A_353 = arith.constant 32 : index
      %swap3A_354 = tpu.vector_load %arg21[%swap3A_353] {strides = array<i32>} : memref<160xf32, #tpu.memory_space<vmem>>, vector<16xf32>,
      tpu.vector_store %arg21[%swap3A_353], %mul3A_352 {strides = array<i32>} : memref<160xf32, #tpu.memory_space<vmem>>, vector<16xf32>,
      %mul3A_355 = arith.mulf %exp3A_322, %div3A_346 : vector<16xf32>
      %swap3A_356 = arith.constant 48 : index
      %swap3A_357 = tpu.vector_load %arg21[%swap3A_356] {strides = array<i32>} : memref<160xf32, #tpu.memory_space<vmem>>, vector<16xf32>,
      tpu.vector_store %arg21[%swap3A_356], %mul3A_355 {strides = array<i32>} : memref<160xf32, #tpu.memory_space<vmem>>, vector<16xf32>,
      %mul3A_358 = arith.mulf %exp3A_325, %div3A_346 : vector<16xf32>
      %swap3A_359 = arith.constant 64 : index
      %swap3A_360 = tpu.vector_load %arg21[%swap3A_359] {strides = array<i32>} : memref<160xf32, #tpu.memory_space<vmem>>, vector<16xf32>,
      tpu.vector_store %arg21[%swap3A_359], %mul3A_358 {strides = array<i32>} : memref<160xf32, #tpu.memory_space<vmem>>, vector<16xf32>,
      %mul3A_361 = arith.mulf %exp3A_328, %div3A_346 : vector<16xf32>
      %swap3A_362 = arith.constant 80 : index
      %swap3A_363 = tpu.vector_load %arg21[%swap3A_362] {strides = array<i32>} : memref<160xf32, #tpu.memory_space<vmem>>, vector<16xf32>,
      tpu.vector_store %arg21[%swap3A_362], %mul3A_361 {strides = array<i32>} : memref<160xf32, #tpu.memory_space<vmem>>, vector<16xf32>,
      %mul3A_364 = arith.mulf %exp3A_331, %div3A_346 : vector<16xf32>
      %swap3A_365 = arith.constant 96 : index
      %swap3A_366 = tpu.vector_load %arg21[%swap3A_365] {strides = array<i32>} : memref<160xf32, #tpu.memory_space<vmem>>, vector<16xf32>,
      tpu.vector_store %arg21[%swap3A_365], %mul3A_364 {strides = array<i32>} : memref<160xf32, #tpu.memory_space<vmem>>, vector<16xf32>,
      %mul3A_367 = arith.mulf %exp3A_334, %div3A_346 : vector<16xf32>
      %swap3A_368 = arith.constant 112 : index
      %swap3A_369 = tpu.vector_load %arg21[%swap3A_368] {strides = array<i32>} : memref<160xf32, #tpu.memory_space<vmem>>, vector<16xf32>,
      tpu.vector_store %arg21[%swap3A_368], %mul3A_367 {strides = array<i32>} : memref<160xf32, #tpu.memory_space<vmem>>, vector<16xf32>,
      %mul3A_370 = arith.mulf %exp3A_337, %div3A_346 : vector<16xf32>
      %swap3A_371 = arith.constant 128 : index
      %swap3A_372 = tpu.vector_load %arg21[%swap3A_371] {strides = array<i32>} : memref<160xf32, #tpu.memory_space<vmem>>, vector<16xf32>,
      tpu.vector_store %arg21[%swap3A_371], %mul3A_370 {strides = array<i32>} : memref<160xf32, #tpu.memory_space<vmem>>, vector<16xf32>,
      %mul3A_373 = arith.mulf %exp3A_340, %div3A_346 : vector<16xf32>
      %swap3A_374 = arith.constant 144 : index
      %swap3A_375 = tpu.vector_load %arg21[%swap3A_374] {strides = array<i32>} : memref<160xf32, #tpu.memory_space<vmem>>, vector<16xf32>,
      tpu.vector_store %arg21[%swap3A_374], %mul3A_373 {strides = array<i32>} : memref<160xf32, #tpu.memory_space<vmem>>, vector<16xf32>,
      %get3A_376 = arith.constant 0 : i32
      %get3A_377 = arith.index_cast %get3A_376 : i32 to index
      %get3A_378 = arith.index_cast %mul3A_12 : i32 to index
      %get3A_379 = tpu.vector_load %arg15[%get3A_377, %get3A_378] {strides = array<i32>} : memref<10x320xi32, #tpu.memory_space<vmem>>, vector<16xi32>,
      %gather3A_380 = tpu.vector_load_idx %arg12[%get3A_379] : memref<10240xf32, #tpu.memory_space<vmem>>[vector<16xi32>], vector<16xf32>,
      %add3A_381 = arith.addf %gather3A_380, %get3A_197 : vector<16xf32>
      %get3A_382 = arith.constant 0 : i32
      %get3A_383 = arith.index_cast %get3A_382 : i32 to index
      %get3A_384 = arith.index_cast %mul3A_12 : i32 to index
      %get3A_385 = tpu.vector_load %arg17[%get3A_383, %get3A_384] {strides = array<i32>} : memref<10x320xf32, #tpu.memory_space<vmem>>, vector<16xf32>,
      %mul3A_386 = arith.mulf %add3A_381, %get3A_385 : vector<16xf32>
      %get3A_387 = arith.constant 1 : i32
      %get3A_388 = arith.index_cast %get3A_387 : i32 to index
      %get3A_389 = arith.index_cast %mul3A_12 : i32 to index
      %get3A_390 = tpu.vector_load %arg15[%get3A_388, %get3A_389] {strides = array<i32>} : memref<10x320xi32, #tpu.memory_space<vmem>>, vector<16xi32>,
      %gather3A_391 = tpu.vector_load_idx %arg12[%get3A_390] : memref<10240xf32, #tpu.memory_space<vmem>>[vector<16xi32>], vector<16xf32>,
      %add3A_392 = arith.addf %gather3A_391, %get3A_197 : vector<16xf32>
      %get3A_393 = arith.constant 1 : i32
      %get3A_394 = arith.index_cast %get3A_393 : i32 to index
      %get3A_395 = arith.index_cast %mul3A_12 : i32 to index
      %get3A_396 = tpu.vector_load %arg17[%get3A_394, %get3A_395] {strides = array<i32>} : memref<10x320xf32, #tpu.memory_space<vmem>>, vector<16xf32>,
      %mul3A_397 = arith.mulf %add3A_392, %get3A_396 : vector<16xf32>
      %max3A_398 = arith.maximumf %mul3A_386, %mul3A_397 : vector<16xf32>
      %get3A_399 = arith.constant 2 : i32
      %get3A_400 = arith.index_cast %get3A_399 : i32 to index
      %get3A_401 = arith.index_cast %mul3A_12 : i32 to index
      %get3A_402 = tpu.vector_load %arg15[%get3A_400, %get3A_401] {strides = array<i32>} : memref<10x320xi32, #tpu.memory_space<vmem>>, vector<16xi32>,
      %gather3A_403 = tpu.vector_load_idx %arg12[%get3A_402] : memref<10240xf32, #tpu.memory_space<vmem>>[vector<16xi32>], vector<16xf32>,
      %add3A_404 = arith.addf %gather3A_403, %get3A_197 : vector<16xf32>
      %get3A_405 = arith.constant 2 : i32
      %get3A_406 = arith.index_cast %get3A_405 : i32 to index
      %get3A_407 = arith.index_cast %mul3A_12 : i32 to index
      %get3A_408 = tpu.vector_load %arg17[%get3A_406, %get3A_407] {strides = array<i32>} : memref<10x320xf32, #tpu.memory_space<vmem>>, vector<16xf32>,
      %mul3A_409 = arith.mulf %add3A_404, %get3A_408 : vector<16xf32>
      %max3A_410 = arith.maximumf %max3A_398, %mul3A_409 : vector<16xf32>
      %get3A_411 = arith.constant 3 : i32
      %get3A_412 = arith.index_cast %get3A_411 : i32 to index
      %get3A_413 = arith.index_cast %mul3A_12 : i32 to index
      %get3A_414 = tpu.vector_load %arg15[%get3A_412, %get3A_413] {strides = array<i32>} : memref<10x320xi32, #tpu.memory_space<vmem>>, vector<16xi32>,
      %gather3A_415 = tpu.vector_load_idx %arg12[%get3A_414] : memref<10240xf32, #tpu.memory_space<vmem>>[vector<16xi32>], vector<16xf32>,
      %add3A_416 = arith.addf %gather3A_415, %get3A_197 : vector<16xf32>
      %get3A_417 = arith.constant 3 : i32
      %get3A_418 = arith.index_cast %get3A_417 : i32 to index
      %get3A_419 = arith.index_cast %mul3A_12 : i32 to index
      %get3A_420 = tpu.vector_load %arg17[%get3A_418, %get3A_419] {strides = array<i32>} : memref<10x320xf32, #tpu.memory_space<vmem>>, vector<16xf32>,
      %mul3A_421 = arith.mulf %add3A_416, %get3A_420 : vector<16xf32>
      %max3A_422 = arith.maximumf %max3A_410, %mul3A_421 : vector<16xf32>
      %get3A_423 = arith.constant 4 : i32
      %get3A_424 = arith.index_cast %get3A_423 : i32 to index
      %get3A_425 = arith.index_cast %mul3A_12 : i32 to index
      %get3A_426 = tpu.vector_load %arg15[%get3A_424, %get3A_425] {strides = array<i32>} : memref<10x320xi32, #tpu.memory_space<vmem>>, vector<16xi32>,
      %gather3A_427 = tpu.vector_load_idx %arg12[%get3A_426] : memref<10240xf32, #tpu.memory_space<vmem>>[vector<16xi32>], vector<16xf32>,
      %add3A_428 = arith.addf %gather3A_427, %get3A_197 : vector<16xf32>
      %get3A_429 = arith.constant 4 : i32
      %get3A_430 = arith.index_cast %get3A_429 : i32 to index
      %get3A_431 = arith.index_cast %mul3A_12 : i32 to index
      %get3A_432 = tpu.vector_load %arg17[%get3A_430, %get3A_431] {strides = array<i32>} : memref<10x320xf32, #tpu.memory_space<vmem>>, vector<16xf32>,
      %mul3A_433 = arith.mulf %add3A_428, %get3A_432 : vector<16xf32>
      %max3A_434 = arith.maximumf %max3A_422, %mul3A_433 : vector<16xf32>
      %get3A_435 = arith.constant 5 : i32
      %get3A_436 = arith.index_cast %get3A_435 : i32 to index
      %get3A_437 = arith.index_cast %mul3A_12 : i32 to index
      %get3A_438 = tpu.vector_load %arg15[%get3A_436, %get3A_437] {strides = array<i32>} : memref<10x320xi32, #tpu.memory_space<vmem>>, vector<16xi32>,
      %gather3A_439 = tpu.vector_load_idx %arg12[%get3A_438] : memref<10240xf32, #tpu.memory_space<vmem>>[vector<16xi32>], vector<16xf32>,
      %add3A_440 = arith.addf %gather3A_439, %get3A_197 : vector<16xf32>
      %get3A_441 = arith.constant 5 : i32
      %get3A_442 = arith.index_cast %get3A_441 : i32 to index
      %get3A_443 = arith.index_cast %mul3A_12 : i32 to index
      %get3A_444 = tpu.vector_load %arg17[%get3A_442, %get3A_443] {strides = array<i32>} : memref<10x320xf32, #tpu.memory_space<vmem>>, vector<16xf32>,
      %mul3A_445 = arith.mulf %add3A_440, %get3A_444 : vector<16xf32>
      %max3A_446 = arith.maximumf %max3A_434, %mul3A_445 : vector<16xf32>
      %get3A_447 = arith.constant 6 : i32
      %get3A_448 = arith.index_cast %get3A_447 : i32 to index
      %get3A_449 = arith.index_cast %mul3A_12 : i32 to index
      %get3A_450 = tpu.vector_load %arg15[%get3A_448, %get3A_449] {strides = array<i32>} : memref<10x320xi32, #tpu.memory_space<vmem>>, vector<16xi32>,
      %gather3A_451 = tpu.vector_load_idx %arg12[%get3A_450] : memref<10240xf32, #tpu.memory_space<vmem>>[vector<16xi32>], vector<16xf32>,
      %add3A_452 = arith.addf %gather3A_451, %get3A_197 : vector<16xf32>
      %get3A_453 = arith.constant 6 : i32
      %get3A_454 = arith.index_cast %get3A_453 : i32 to index
      %get3A_455 = arith.index_cast %mul3A_12 : i32 to index
      %get3A_456 = tpu.vector_load %arg17[%get3A_454, %get3A_455] {strides = array<i32>} : memref<10x320xf32, #tpu.memory_space<vmem>>, vector<16xf32>,
      %mul3A_457 = arith.mulf %add3A_452, %get3A_456 : vector<16xf32>
      %max3A_458 = arith.maximumf %max3A_446, %mul3A_457 : vector<16xf32>
      %get3A_459 = arith.constant 7 : i32
      %get3A_460 = arith.index_cast %get3A_459 : i32 to index
      %get3A_461 = arith.index_cast %mul3A_12 : i32 to index
      %get3A_462 = tpu.vector_load %arg15[%get3A_460, %get3A_461] {strides = array<i32>} : memref<10x320xi32, #tpu.memory_space<vmem>>, vector<16xi32>,
      %gather3A_463 = tpu.vector_load_idx %arg12[%get3A_462] : memref<10240xf32, #tpu.memory_space<vmem>>[vector<16xi32>], vector<16xf32>,
      %add3A_464 = arith.addf %gather3A_463, %get3A_197 : vector<16xf32>
      %get3A_465 = arith.constant 7 : i32
      %get3A_466 = arith.index_cast %get3A_465 : i32 to index
      %get3A_467 = arith.index_cast %mul3A_12 : i32 to index
      %get3A_468 = tpu.vector_load %arg17[%get3A_466, %get3A_467] {strides = array<i32>} : memref<10x320xf32, #tpu.memory_space<vmem>>, vector<16xf32>,
      %mul3A_469 = arith.mulf %add3A_464, %get3A_468 : vector<16xf32>
      %max3A_470 = arith.maximumf %max3A_458, %mul3A_469 : vector<16xf32>
      %get3A_471 = arith.constant 8 : i32
      %get3A_472 = arith.index_cast %get3A_471 : i32 to index
      %get3A_473 = arith.index_cast %mul3A_12 : i32 to index
      %get3A_474 = tpu.vector_load %arg15[%get3A_472, %get3A_473] {strides = array<i32>} : memref<10x320xi32, #tpu.memory_space<vmem>>, vector<16xi32>,
      %gather3A_475 = tpu.vector_load_idx %arg12[%get3A_474] : memref<10240xf32, #tpu.memory_space<vmem>>[vector<16xi32>], vector<16xf32>,
      %add3A_476 = arith.addf %gather3A_475, %get3A_197 : vector<16xf32>
      %get3A_477 = arith.constant 8 : i32
      %get3A_478 = arith.index_cast %get3A_477 : i32 to index
      %get3A_479 = arith.index_cast %mul3A_12 : i32 to index
      %get3A_480 = tpu.vector_load %arg17[%get3A_478, %get3A_479] {strides = array<i32>} : memref<10x320xf32, #tpu.memory_space<vmem>>, vector<16xf32>,
      %mul3A_481 = arith.mulf %add3A_476, %get3A_480 : vector<16xf32>
      %max3A_482 = arith.maximumf %max3A_470, %mul3A_481 : vector<16xf32>
      %get3A_483 = arith.constant 9 : i32
      %get3A_484 = arith.index_cast %get3A_483 : i32 to index
      %get3A_485 = arith.index_cast %mul3A_12 : i32 to index
      %get3A_486 = tpu.vector_load %arg15[%get3A_484, %get3A_485] {strides = array<i32>} : memref<10x320xi32, #tpu.memory_space<vmem>>, vector<16xi32>,
      %gather3A_487 = tpu.vector_load_idx %arg12[%get3A_486] : memref<10240xf32, #tpu.memory_space<vmem>>[vector<16xi32>], vector<16xf32>,
      %add3A_488 = arith.addf %gather3A_487, %get3A_197 : vector<16xf32>
      %get3A_489 = arith.constant 9 : i32
      %get3A_490 = arith.index_cast %get3A_489 : i32 to index
      %get3A_491 = arith.index_cast %mul3A_12 : i32 to index
      %get3A_492 = tpu.vector_load %arg17[%get3A_490, %get3A_491] {strides = array<i32>} : memref<10x320xf32, #tpu.memory_space<vmem>>, vector<16xf32>,
      %mul3A_493 = arith.mulf %add3A_488, %get3A_492 : vector<16xf32>
      %max3A_494 = arith.maximumf %max3A_482, %mul3A_493 : vector<16xf32>
      %sub3A_495 = arith.subf %mul3A_386, %max3A_494 : vector<16xf32>
      %exp3A_496 = math.exp %sub3A_495 : vector<16xf32>
      %sub3A_497 = arith.subf %mul3A_397, %max3A_494 : vector<16xf32>
      %exp3A_498 = math.exp %sub3A_497 : vector<16xf32>
      %add3A_499 = arith.addf %exp3A_496, %exp3A_498 : vector<16xf32>
      %sub3A_500 = arith.subf %mul3A_409, %max3A_494 : vector<16xf32>
      %exp3A_501 = math.exp %sub3A_500 : vector<16xf32>
      %add3A_502 = arith.addf %add3A_499, %exp3A_501 : vector<16xf32>
      %sub3A_503 = arith.subf %mul3A_421, %max3A_494 : vector<16xf32>
      %exp3A_504 = math.exp %sub3A_503 : vector<16xf32>
      %add3A_505 = arith.addf %add3A_502, %exp3A_504 : vector<16xf32>
      %sub3A_506 = arith.subf %mul3A_433, %max3A_494 : vector<16xf32>
      %exp3A_507 = math.exp %sub3A_506 : vector<16xf32>
      %add3A_508 = arith.addf %add3A_505, %exp3A_507 : vector<16xf32>
      %sub3A_509 = arith.subf %mul3A_445, %max3A_494 : vector<16xf32>
      %exp3A_510 = math.exp %sub3A_509 : vector<16xf32>
      %add3A_511 = arith.addf %add3A_508, %exp3A_510 : vector<16xf32>
      %sub3A_512 = arith.subf %mul3A_457, %max3A_494 : vector<16xf32>
      %exp3A_513 = math.exp %sub3A_512 : vector<16xf32>
      %add3A_514 = arith.addf %add3A_511, %exp3A_513 : vector<16xf32>
      %sub3A_515 = arith.subf %mul3A_469, %max3A_494 : vector<16xf32>
      %exp3A_516 = math.exp %sub3A_515 : vector<16xf32>
      %add3A_517 = arith.addf %add3A_514, %exp3A_516 : vector<16xf32>
      %sub3A_518 = arith.subf %mul3A_481, %max3A_494 : vector<16xf32>
      %exp3A_519 = math.exp %sub3A_518 : vector<16xf32>
      %add3A_520 = arith.addf %add3A_517, %exp3A_519 : vector<16xf32>
      %sub3A_521 = arith.subf %mul3A_493, %max3A_494 : vector<16xf32>
      %exp3A_522 = math.exp %sub3A_521 : vector<16xf32>
      %add3A_523 = arith.addf %add3A_520, %exp3A_522 : vector<16xf32>
      %mul3A_524 = arith.constant 1.000000e+01 : f32
      %mul3A_525 = vector.broadcast %mul3A_524 : f32 to vector<16xf32>
      %mul3A_526 = arith.mulf %mul3A_525, %add3A_523 : vector<16xf32>
      %div3A_527 = arith.constant 1.000000e+00 : f32
      %div3A_528 = vector.broadcast %div3A_527 : f32 to vector<16xf32>
      %div3A_529 = arith.divf %div3A_528, %mul3A_526 : vector<16xf32>
      %mul3A_530 = arith.mulf %exp3A_496, %div3A_529 : vector<16xf32>
      %swap3A_531 = arith.constant 0 : index
      %swap3A_532 = tpu.vector_load %arg22[%swap3A_531] {strides = array<i32>} : memref<160xf32, #tpu.memory_space<vmem>>, vector<16xf32>,
      tpu.vector_store %arg22[%swap3A_531], %mul3A_530 {strides = array<i32>} : memref<160xf32, #tpu.memory_space<vmem>>, vector<16xf32>,
      %mul3A_533 = arith.mulf %exp3A_498, %div3A_529 : vector<16xf32>
      %swap3A_534 = arith.constant 16 : index
      %swap3A_535 = tpu.vector_load %arg22[%swap3A_534] {strides = array<i32>} : memref<160xf32, #tpu.memory_space<vmem>>, vector<16xf32>,
      tpu.vector_store %arg22[%swap3A_534], %mul3A_533 {strides = array<i32>} : memref<160xf32, #tpu.memory_space<vmem>>, vector<16xf32>,
      %mul3A_536 = arith.mulf %exp3A_501, %div3A_529 : vector<16xf32>
      %swap3A_537 = arith.constant 32 : index
      %swap3A_538 = tpu.vector_load %arg22[%swap3A_537] {strides = array<i32>} : memref<160xf32, #tpu.memory_space<vmem>>, vector<16xf32>,
      tpu.vector_store %arg22[%swap3A_537], %mul3A_536 {strides = array<i32>} : memref<160xf32, #tpu.memory_space<vmem>>, vector<16xf32>,
      %mul3A_539 = arith.mulf %exp3A_504, %div3A_529 : vector<16xf32>
      %swap3A_540 = arith.constant 48 : index
      %swap3A_541 = tpu.vector_load %arg22[%swap3A_540] {strides = array<i32>} : memref<160xf32, #tpu.memory_space<vmem>>, vector<16xf32>,
      tpu.vector_store %arg22[%swap3A_540], %mul3A_539 {strides = array<i32>} : memref<160xf32, #tpu.memory_space<vmem>>, vector<16xf32>,
      %mul3A_542 = arith.mulf %exp3A_507, %div3A_529 : vector<16xf32>
      %swap3A_543 = arith.constant 64 : index
      %swap3A_544 = tpu.vector_load %arg22[%swap3A_543] {strides = array<i32>} : memref<160xf32, #tpu.memory_space<vmem>>, vector<16xf32>,
      tpu.vector_store %arg22[%swap3A_543], %mul3A_542 {strides = array<i32>} : memref<160xf32, #tpu.memory_space<vmem>>, vector<16xf32>,
      %mul3A_545 = arith.mulf %exp3A_510, %div3A_529 : vector<16xf32>
      %swap3A_546 = arith.constant 80 : index
      %swap3A_547 = tpu.vector_load %arg22[%swap3A_546] {strides = array<i32>} : memref<160xf32, #tpu.memory_space<vmem>>, vector<16xf32>,
      tpu.vector_store %arg22[%swap3A_546], %mul3A_545 {strides = array<i32>} : memref<160xf32, #tpu.memory_space<vmem>>, vector<16xf32>,
      %mul3A_548 = arith.mulf %exp3A_513, %div3A_529 : vector<16xf32>
      %swap3A_549 = arith.constant 96 : index
      %swap3A_550 = tpu.vector_load %arg22[%swap3A_549] {strides = array<i32>} : memref<160xf32, #tpu.memory_space<vmem>>, vector<16xf32>,
      tpu.vector_store %arg22[%swap3A_549], %mul3A_548 {strides = array<i32>} : memref<160xf32, #tpu.memory_space<vmem>>, vector<16xf32>,
      %mul3A_551 = arith.mulf %exp3A_516, %div3A_529 : vector<16xf32>
      %swap3A_552 = arith.constant 112 : index
      %swap3A_553 = tpu.vector_load %arg22[%swap3A_552] {strides = array<i32>} : memref<160xf32, #tpu.memory_space<vmem>>, vector<16xf32>,
      tpu.vector_store %arg22[%swap3A_552], %mul3A_551 {strides = array<i32>} : memref<160xf32, #tpu.memory_space<vmem>>, vector<16xf32>,
      %mul3A_554 = arith.mulf %exp3A_519, %div3A_529 : vector<16xf32>
      %swap3A_555 = arith.constant 128 : index
      %swap3A_556 = tpu.vector_load %arg22[%swap3A_555] {strides = array<i32>} : memref<160xf32, #tpu.memory_space<vmem>>, vector<16xf32>,
      tpu.vector_store %arg22[%swap3A_555], %mul3A_554 {strides = array<i32>} : memref<160xf32, #tpu.memory_space<vmem>>, vector<16xf32>,
      %mul3A_557 = arith.mulf %exp3A_522, %div3A_529 : vector<16xf32>
      %swap3A_558 = arith.constant 144 : index
      %swap3A_559 = tpu.vector_load %arg22[%swap3A_558] {strides = array<i32>} : memref<160xf32, #tpu.memory_space<vmem>>, vector<16xf32>,
      tpu.vector_store %arg22[%swap3A_558], %mul3A_557 {strides = array<i32>} : memref<160xf32, #tpu.memory_space<vmem>>, vector<16xf32>,
      %dma_wait3A = arith.constant 0 : i32
      %dma_wait3A_560 = arith.constant 0 : i32
      %dma_wait3A_561 = arith.constant 0 : i32
      %dma_wait3A_562 = tpu.memref_slice %arg19[%dma_wait3A_560, %dma_wait3A_561] : memref<160x256xf32, #tpu.memory_space<vmem>> -> memref<16x256xf32, #tpu.memory_space<vmem>>
      %dma_wait3A_563 = tpu.memref_slice %arg14[%dma_wait3A, %mul3A_12] : memref<10x320xi32, #tpu.memory_space<vmem>> -> memref<1x16xi32, #tpu.memory_space<vmem>>
      %dma_wait3A_564 = tpu.memref_squeeze %dma_wait3A_563 : memref<1x16xi32, #tpu.memory_space<vmem>> -> memref<16xi32, #tpu.memory_space<vmem>>
      %dma_wait3A_565 = arith.constant 0 : i32
      %dma_wait3A_566 = arith.constant 0 : i32
      %dma_wait3A_567 = tpu.memref_slice %arg2[%dma_wait3A_565, %dma_wait3A_566] : memref<10240x256xf32, #tpu.memory_space<hbm>> -> memref<10240x256xf32, #tpu.memory_space<hbm>>
      tpu.wait_indirect_dma semaphore(%arg25 : memref<!tpu.dma_semaphore, #tpu.memory_space<semaphore_mem>>) src(%dma_wait3A_567 : memref<10240x256xf32, #tpu.memory_space<hbm>>) dst(%dma_wait3A_562 : memref<16x256xf32, #tpu.memory_space<vmem>>)
      %dma_wait3A_568 = arith.constant 1 : i32
      %dma_wait3A_569 = arith.constant 16 : i32
      %dma_wait3A_570 = arith.constant 0 : i32
      %dma_wait3A_571 = tpu.memref_slice %arg19[%dma_wait3A_569, %dma_wait3A_570] : memref<160x256xf32, #tpu.memory_space<vmem>> -> memref<16x256xf32, #tpu.memory_space<vmem>>
      %dma_wait3A_572 = tpu.memref_slice %arg14[%dma_wait3A_568, %mul3A_12] : memref<10x320xi32, #tpu.memory_space<vmem>> -> memref<1x16xi32, #tpu.memory_space<vmem>>
      %dma_wait3A_573 = tpu.memref_squeeze %dma_wait3A_572 : memref<1x16xi32, #tpu.memory_space<vmem>> -> memref<16xi32, #tpu.memory_space<vmem>>
      %dma_wait3A_574 = arith.constant 0 : i32
      %dma_wait3A_575 = arith.constant 0 : i32
      %dma_wait3A_576 = tpu.memref_slice %arg2[%dma_wait3A_574, %dma_wait3A_575] : memref<10240x256xf32, #tpu.memory_space<hbm>> -> memref<10240x256xf32, #tpu.memory_space<hbm>>
      tpu.wait_indirect_dma semaphore(%arg25 : memref<!tpu.dma_semaphore, #tpu.memory_space<semaphore_mem>>) src(%dma_wait3A_576 : memref<10240x256xf32, #tpu.memory_space<hbm>>) dst(%dma_wait3A_571 : memref<16x256xf32, #tpu.memory_space<vmem>>)
      %dma_wait3A_577 = arith.constant 2 : i32
      %dma_wait3A_578 = arith.constant 32 : i32
      %dma_wait3A_579 = arith.constant 0 : i32
      %dma_wait3A_580 = tpu.memref_slice %arg19[%dma_wait3A_578, %dma_wait3A_579] : memref<160x256xf32, #tpu.memory_space<vmem>> -> memref<16x256xf32, #tpu.memory_space<vmem>>
      %dma_wait3A_581 = tpu.memref_slice %arg14[%dma_wait3A_577, %mul3A_12] : memref<10x320xi32, #tpu.memory_space<vmem>> -> memref<1x16xi32, #tpu.memory_space<vmem>>
      %dma_wait3A_582 = tpu.memref_squeeze %dma_wait3A_581 : memref<1x16xi32, #tpu.memory_space<vmem>> -> memref<16xi32, #tpu.memory_space<vmem>>
      %dma_wait3A_583 = arith.constant 0 : i32
      %dma_wait3A_584 = arith.constant 0 : i32
      %dma_wait3A_585 = tpu.memref_slice %arg2[%dma_wait3A_583, %dma_wait3A_584] : memref<10240x256xf32, #tpu.memory_space<hbm>> -> memref<10240x256xf32, #tpu.memory_space<hbm>>
      tpu.wait_indirect_dma semaphore(%arg25 : memref<!tpu.dma_semaphore, #tpu.memory_space<semaphore_mem>>) src(%dma_wait3A_585 : memref<10240x256xf32, #tpu.memory_space<hbm>>) dst(%dma_wait3A_580 : memref<16x256xf32, #tpu.memory_space<vmem>>)
      %dma_wait3A_586 = arith.constant 3 : i32
      %dma_wait3A_587 = arith.constant 48 : i32
      %dma_wait3A_588 = arith.constant 0 : i32
      %dma_wait3A_589 = tpu.memref_slice %arg19[%dma_wait3A_587, %dma_wait3A_588] : memref<160x256xf32, #tpu.memory_space<vmem>> -> memref<16x256xf32, #tpu.memory_space<vmem>>
      %dma_wait3A_590 = tpu.memref_slice %arg14[%dma_wait3A_586, %mul3A_12] : memref<10x320xi32, #tpu.memory_space<vmem>> -> memref<1x16xi32, #tpu.memory_space<vmem>>
      %dma_wait3A_591 = tpu.memref_squeeze %dma_wait3A_590 : memref<1x16xi32, #tpu.memory_space<vmem>> -> memref<16xi32, #tpu.memory_space<vmem>>
      %dma_wait3A_592 = arith.constant 0 : i32
      %dma_wait3A_593 = arith.constant 0 : i32
      %dma_wait3A_594 = tpu.memref_slice %arg2[%dma_wait3A_592, %dma_wait3A_593] : memref<10240x256xf32, #tpu.memory_space<hbm>> -> memref<10240x256xf32, #tpu.memory_space<hbm>>
      tpu.wait_indirect_dma semaphore(%arg25 : memref<!tpu.dma_semaphore, #tpu.memory_space<semaphore_mem>>) src(%dma_wait3A_594 : memref<10240x256xf32, #tpu.memory_space<hbm>>) dst(%dma_wait3A_589 : memref<16x256xf32, #tpu.memory_space<vmem>>)
      %dma_wait3A_595 = arith.constant 4 : i32
      %dma_wait3A_596 = arith.constant 64 : i32
      %dma_wait3A_597 = arith.constant 0 : i32
      %dma_wait3A_598 = tpu.memref_slice %arg19[%dma_wait3A_596, %dma_wait3A_597] : memref<160x256xf32, #tpu.memory_space<vmem>> -> memref<16x256xf32, #tpu.memory_space<vmem>>
      %dma_wait3A_599 = tpu.memref_slice %arg14[%dma_wait3A_595, %mul3A_12] : memref<10x320xi32, #tpu.memory_space<vmem>> -> memref<1x16xi32, #tpu.memory_space<vmem>>
      %dma_wait3A_600 = tpu.memref_squeeze %dma_wait3A_599 : memref<1x16xi32, #tpu.memory_space<vmem>> -> memref<16xi32, #tpu.memory_space<vmem>>
      %dma_wait3A_601 = arith.constant 0 : i32
      %dma_wait3A_602 = arith.constant 0 : i32
      %dma_wait3A_603 = tpu.memref_slice %arg2[%dma_wait3A_601, %dma_wait3A_602] : memref<10240x256xf32, #tpu.memory_space<hbm>> -> memref<10240x256xf32, #tpu.memory_space<hbm>>
      tpu.wait_indirect_dma semaphore(%arg25 : memref<!tpu.dma_semaphore, #tpu.memory_space<semaphore_mem>>) src(%dma_wait3A_603 : memref<10240x256xf32, #tpu.memory_space<hbm>>) dst(%dma_wait3A_598 : memref<16x256xf32, #tpu.memory_space<vmem>>)
      %dma_wait3A_604 = arith.constant 5 : i32
      %dma_wait3A_605 = arith.constant 80 : i32
      %dma_wait3A_606 = arith.constant 0 : i32
      %dma_wait3A_607 = tpu.memref_slice %arg19[%dma_wait3A_605, %dma_wait3A_606] : memref<160x256xf32, #tpu.memory_space<vmem>> -> memref<16x256xf32, #tpu.memory_space<vmem>>
      %dma_wait3A_608 = tpu.memref_slice %arg14[%dma_wait3A_604, %mul3A_12] : memref<10x320xi32, #tpu.memory_space<vmem>> -> memref<1x16xi32, #tpu.memory_space<vmem>>
      %dma_wait3A_609 = tpu.memref_squeeze %dma_wait3A_608 : memref<1x16xi32, #tpu.memory_space<vmem>> -> memref<16xi32, #tpu.memory_space<vmem>>
      %dma_wait3A_610 = arith.constant 0 : i32
      %dma_wait3A_611 = arith.constant 0 : i32
      %dma_wait3A_612 = tpu.memref_slice %arg2[%dma_wait3A_610, %dma_wait3A_611] : memref<10240x256xf32, #tpu.memory_space<hbm>> -> memref<10240x256xf32, #tpu.memory_space<hbm>>
      tpu.wait_indirect_dma semaphore(%arg25 : memref<!tpu.dma_semaphore, #tpu.memory_space<semaphore_mem>>) src(%dma_wait3A_612 : memref<10240x256xf32, #tpu.memory_space<hbm>>) dst(%dma_wait3A_607 : memref<16x256xf32, #tpu.memory_space<vmem>>)
      %dma_wait3A_613 = arith.constant 6 : i32
      %dma_wait3A_614 = arith.constant 96 : i32
      %dma_wait3A_615 = arith.constant 0 : i32
      %dma_wait3A_616 = tpu.memref_slice %arg19[%dma_wait3A_614, %dma_wait3A_615] : memref<160x256xf32, #tpu.memory_space<vmem>> -> memref<16x256xf32, #tpu.memory_space<vmem>>
      %dma_wait3A_617 = tpu.memref_slice %arg14[%dma_wait3A_613, %mul3A_12] : memref<10x320xi32, #tpu.memory_space<vmem>> -> memref<1x16xi32, #tpu.memory_space<vmem>>
      %dma_wait3A_618 = tpu.memref_squeeze %dma_wait3A_617 : memref<1x16xi32, #tpu.memory_space<vmem>> -> memref<16xi32, #tpu.memory_space<vmem>>
      %dma_wait3A_619 = arith.constant 0 : i32
      %dma_wait3A_620 = arith.constant 0 : i32
      %dma_wait3A_621 = tpu.memref_slice %arg2[%dma_wait3A_619, %dma_wait3A_620] : memref<10240x256xf32, #tpu.memory_space<hbm>> -> memref<10240x256xf32, #tpu.memory_space<hbm>>
      tpu.wait_indirect_dma semaphore(%arg25 : memref<!tpu.dma_semaphore, #tpu.memory_space<semaphore_mem>>) src(%dma_wait3A_621 : memref<10240x256xf32, #tpu.memory_space<hbm>>) dst(%dma_wait3A_616 : memref<16x256xf32, #tpu.memory_space<vmem>>)
      %dma_wait3A_622 = arith.constant 7 : i32
      %dma_wait3A_623 = arith.constant 112 : i32
      %dma_wait3A_624 = arith.constant 0 : i32
      %dma_wait3A_625 = tpu.memref_slice %arg19[%dma_wait3A_623, %dma_wait3A_624] : memref<160x256xf32, #tpu.memory_space<vmem>> -> memref<16x256xf32, #tpu.memory_space<vmem>>
      %dma_wait3A_626 = tpu.memref_slice %arg14[%dma_wait3A_622, %mul3A_12] : memref<10x320xi32, #tpu.memory_space<vmem>> -> memref<1x16xi32, #tpu.memory_space<vmem>>
      %dma_wait3A_627 = tpu.memref_squeeze %dma_wait3A_626 : memref<1x16xi32, #tpu.memory_space<vmem>> -> memref<16xi32, #tpu.memory_space<vmem>>
      %dma_wait3A_628 = arith.constant 0 : i32
      %dma_wait3A_629 = arith.constant 0 : i32
      %dma_wait3A_630 = tpu.memref_slice %arg2[%dma_wait3A_628, %dma_wait3A_629] : memref<10240x256xf32, #tpu.memory_space<hbm>> -> memref<10240x256xf32, #tpu.memory_space<hbm>>
      tpu.wait_indirect_dma semaphore(%arg25 : memref<!tpu.dma_semaphore, #tpu.memory_space<semaphore_mem>>) src(%dma_wait3A_630 : memref<10240x256xf32, #tpu.memory_space<hbm>>) dst(%dma_wait3A_625 : memref<16x256xf32, #tpu.memory_space<vmem>>)
      %dma_wait3A_631 = arith.constant 8 : i32
      %dma_wait3A_632 = arith.constant 128 : i32
      %dma_wait3A_633 = arith.constant 0 : i32
      %dma_wait3A_634 = tpu.memref_slice %arg19[%dma_wait3A_632, %dma_wait3A_633] : memref<160x256xf32, #tpu.memory_space<vmem>> -> memref<16x256xf32, #tpu.memory_space<vmem>>
      %dma_wait3A_635 = tpu.memref_slice %arg14[%dma_wait3A_631, %mul3A_12] : memref<10x320xi32, #tpu.memory_space<vmem>> -> memref<1x16xi32, #tpu.memory_space<vmem>>
      %dma_wait3A_636 = tpu.memref_squeeze %dma_wait3A_635 : memref<1x16xi32, #tpu.memory_space<vmem>> -> memref<16xi32, #tpu.memory_space<vmem>>
      %dma_wait3A_637 = arith.constant 0 : i32
      %dma_wait3A_638 = arith.constant 0 : i32
      %dma_wait3A_639 = tpu.memref_slice %arg2[%dma_wait3A_637, %dma_wait3A_638] : memref<10240x256xf32, #tpu.memory_space<hbm>> -> memref<10240x256xf32, #tpu.memory_space<hbm>>
      tpu.wait_indirect_dma semaphore(%arg25 : memref<!tpu.dma_semaphore, #tpu.memory_space<semaphore_mem>>) src(%dma_wait3A_639 : memref<10240x256xf32, #tpu.memory_space<hbm>>) dst(%dma_wait3A_634 : memref<16x256xf32, #tpu.memory_space<vmem>>)
      %dma_wait3A_640 = arith.constant 9 : i32
      %dma_wait3A_641 = arith.constant 144 : i32
      %dma_wait3A_642 = arith.constant 0 : i32
      %dma_wait3A_643 = tpu.memref_slice %arg19[%dma_wait3A_641, %dma_wait3A_642] : memref<160x256xf32, #tpu.memory_space<vmem>> -> memref<16x256xf32, #tpu.memory_space<vmem>>
      %dma_wait3A_644 = tpu.memref_slice %arg14[%dma_wait3A_640, %mul3A_12] : memref<10x320xi32, #tpu.memory_space<vmem>> -> memref<1x16xi32, #tpu.memory_space<vmem>>
      %dma_wait3A_645 = tpu.memref_squeeze %dma_wait3A_644 : memref<1x16xi32, #tpu.memory_space<vmem>> -> memref<16xi32, #tpu.memory_space<vmem>>
      %dma_wait3A_646 = arith.constant 0 : i32
      %dma_wait3A_647 = arith.constant 0 : i32
      %dma_wait3A_648 = tpu.memref_slice %arg2[%dma_wait3A_646, %dma_wait3A_647] : memref<10240x256xf32, #tpu.memory_space<hbm>> -> memref<10240x256xf32, #tpu.memory_space<hbm>>
      tpu.wait_indirect_dma semaphore(%arg25 : memref<!tpu.dma_semaphore, #tpu.memory_space<semaphore_mem>>) src(%dma_wait3A_648 : memref<10240x256xf32, #tpu.memory_space<hbm>>) dst(%dma_wait3A_643 : memref<16x256xf32, #tpu.memory_space<vmem>>)
      %dma_wait3A_649 = arith.constant 0 : i32
      %dma_wait3A_650 = arith.constant 0 : i32
      %dma_wait3A_651 = arith.constant 0 : i32
      %dma_wait3A_652 = tpu.memref_slice %arg20[%dma_wait3A_650, %dma_wait3A_651] : memref<160x256xf32, #tpu.memory_space<vmem>> -> memref<16x256xf32, #tpu.memory_space<vmem>>
      %dma_wait3A_653 = tpu.memref_slice %arg15[%dma_wait3A_649, %mul3A_12] : memref<10x320xi32, #tpu.memory_space<vmem>> -> memref<1x16xi32, #tpu.memory_space<vmem>>
      %dma_wait3A_654 = tpu.memref_squeeze %dma_wait3A_653 : memref<1x16xi32, #tpu.memory_space<vmem>> -> memref<16xi32, #tpu.memory_space<vmem>>
      %dma_wait3A_655 = arith.constant 0 : i32
      %dma_wait3A_656 = arith.constant 0 : i32
      %dma_wait3A_657 = tpu.memref_slice %arg2[%dma_wait3A_655, %dma_wait3A_656] : memref<10240x256xf32, #tpu.memory_space<hbm>> -> memref<10240x256xf32, #tpu.memory_space<hbm>>
      tpu.wait_indirect_dma semaphore(%arg25 : memref<!tpu.dma_semaphore, #tpu.memory_space<semaphore_mem>>) src(%dma_wait3A_657 : memref<10240x256xf32, #tpu.memory_space<hbm>>) dst(%dma_wait3A_652 : memref<16x256xf32, #tpu.memory_space<vmem>>)
      %dma_wait3A_658 = arith.constant 1 : i32
      %dma_wait3A_659 = arith.constant 16 : i32
      %dma_wait3A_660 = arith.constant 0 : i32
      %dma_wait3A_661 = tpu.memref_slice %arg20[%dma_wait3A_659, %dma_wait3A_660] : memref<160x256xf32, #tpu.memory_space<vmem>> -> memref<16x256xf32, #tpu.memory_space<vmem>>
      %dma_wait3A_662 = tpu.memref_slice %arg15[%dma_wait3A_658, %mul3A_12] : memref<10x320xi32, #tpu.memory_space<vmem>> -> memref<1x16xi32, #tpu.memory_space<vmem>>
      %dma_wait3A_663 = tpu.memref_squeeze %dma_wait3A_662 : memref<1x16xi32, #tpu.memory_space<vmem>> -> memref<16xi32, #tpu.memory_space<vmem>>
      %dma_wait3A_664 = arith.constant 0 : i32
      %dma_wait3A_665 = arith.constant 0 : i32
      %dma_wait3A_666 = tpu.memref_slice %arg2[%dma_wait3A_664, %dma_wait3A_665] : memref<10240x256xf32, #tpu.memory_space<hbm>> -> memref<10240x256xf32, #tpu.memory_space<hbm>>
      tpu.wait_indirect_dma semaphore(%arg25 : memref<!tpu.dma_semaphore, #tpu.memory_space<semaphore_mem>>) src(%dma_wait3A_666 : memref<10240x256xf32, #tpu.memory_space<hbm>>) dst(%dma_wait3A_661 : memref<16x256xf32, #tpu.memory_space<vmem>>)
      %dma_wait3A_667 = arith.constant 2 : i32
      %dma_wait3A_668 = arith.constant 32 : i32
      %dma_wait3A_669 = arith.constant 0 : i32
      %dma_wait3A_670 = tpu.memref_slice %arg20[%dma_wait3A_668, %dma_wait3A_669] : memref<160x256xf32, #tpu.memory_space<vmem>> -> memref<16x256xf32, #tpu.memory_space<vmem>>
      %dma_wait3A_671 = tpu.memref_slice %arg15[%dma_wait3A_667, %mul3A_12] : memref<10x320xi32, #tpu.memory_space<vmem>> -> memref<1x16xi32, #tpu.memory_space<vmem>>
      %dma_wait3A_672 = tpu.memref_squeeze %dma_wait3A_671 : memref<1x16xi32, #tpu.memory_space<vmem>> -> memref<16xi32, #tpu.memory_space<vmem>>
      %dma_wait3A_673 = arith.constant 0 : i32
      %dma_wait3A_674 = arith.constant 0 : i32
      %dma_wait3A_675 = tpu.memref_slice %arg2[%dma_wait3A_673, %dma_wait3A_674] : memref<10240x256xf32, #tpu.memory_space<hbm>> -> memref<10240x256xf32, #tpu.memory_space<hbm>>
      tpu.wait_indirect_dma semaphore(%arg25 : memref<!tpu.dma_semaphore, #tpu.memory_space<semaphore_mem>>) src(%dma_wait3A_675 : memref<10240x256xf32, #tpu.memory_space<hbm>>) dst(%dma_wait3A_670 : memref<16x256xf32, #tpu.memory_space<vmem>>)
      %dma_wait3A_676 = arith.constant 3 : i32
      %dma_wait3A_677 = arith.constant 48 : i32
      %dma_wait3A_678 = arith.constant 0 : i32
      %dma_wait3A_679 = tpu.memref_slice %arg20[%dma_wait3A_677, %dma_wait3A_678] : memref<160x256xf32, #tpu.memory_space<vmem>> -> memref<16x256xf32, #tpu.memory_space<vmem>>
      %dma_wait3A_680 = tpu.memref_slice %arg15[%dma_wait3A_676, %mul3A_12] : memref<10x320xi32, #tpu.memory_space<vmem>> -> memref<1x16xi32, #tpu.memory_space<vmem>>
      %dma_wait3A_681 = tpu.memref_squeeze %dma_wait3A_680 : memref<1x16xi32, #tpu.memory_space<vmem>> -> memref<16xi32, #tpu.memory_space<vmem>>
      %dma_wait3A_682 = arith.constant 0 : i32
      %dma_wait3A_683 = arith.constant 0 : i32
      %dma_wait3A_684 = tpu.memref_slice %arg2[%dma_wait3A_682, %dma_wait3A_683] : memref<10240x256xf32, #tpu.memory_space<hbm>> -> memref<10240x256xf32, #tpu.memory_space<hbm>>
      tpu.wait_indirect_dma semaphore(%arg25 : memref<!tpu.dma_semaphore, #tpu.memory_space<semaphore_mem>>) src(%dma_wait3A_684 : memref<10240x256xf32, #tpu.memory_space<hbm>>) dst(%dma_wait3A_679 : memref<16x256xf32, #tpu.memory_space<vmem>>)
      %dma_wait3A_685 = arith.constant 4 : i32
      %dma_wait3A_686 = arith.constant 64 : i32
      %dma_wait3A_687 = arith.constant 0 : i32
      %dma_wait3A_688 = tpu.memref_slice %arg20[%dma_wait3A_686, %dma_wait3A_687] : memref<160x256xf32, #tpu.memory_space<vmem>> -> memref<16x256xf32, #tpu.memory_space<vmem>>
      %dma_wait3A_689 = tpu.memref_slice %arg15[%dma_wait3A_685, %mul3A_12] : memref<10x320xi32, #tpu.memory_space<vmem>> -> memref<1x16xi32, #tpu.memory_space<vmem>>
      %dma_wait3A_690 = tpu.memref_squeeze %dma_wait3A_689 : memref<1x16xi32, #tpu.memory_space<vmem>> -> memref<16xi32, #tpu.memory_space<vmem>>
      %dma_wait3A_691 = arith.constant 0 : i32
      %dma_wait3A_692 = arith.constant 0 : i32
      %dma_wait3A_693 = tpu.memref_slice %arg2[%dma_wait3A_691, %dma_wait3A_692] : memref<10240x256xf32, #tpu.memory_space<hbm>> -> memref<10240x256xf32, #tpu.memory_space<hbm>>
      tpu.wait_indirect_dma semaphore(%arg25 : memref<!tpu.dma_semaphore, #tpu.memory_space<semaphore_mem>>) src(%dma_wait3A_693 : memref<10240x256xf32, #tpu.memory_space<hbm>>) dst(%dma_wait3A_688 : memref<16x256xf32, #tpu.memory_space<vmem>>)
      %dma_wait3A_694 = arith.constant 5 : i32
      %dma_wait3A_695 = arith.constant 80 : i32
      %dma_wait3A_696 = arith.constant 0 : i32
      %dma_wait3A_697 = tpu.memref_slice %arg20[%dma_wait3A_695, %dma_wait3A_696] : memref<160x256xf32, #tpu.memory_space<vmem>> -> memref<16x256xf32, #tpu.memory_space<vmem>>
      %dma_wait3A_698 = tpu.memref_slice %arg15[%dma_wait3A_694, %mul3A_12] : memref<10x320xi32, #tpu.memory_space<vmem>> -> memref<1x16xi32, #tpu.memory_space<vmem>>
      %dma_wait3A_699 = tpu.memref_squeeze %dma_wait3A_698 : memref<1x16xi32, #tpu.memory_space<vmem>> -> memref<16xi32, #tpu.memory_space<vmem>>
      %dma_wait3A_700 = arith.constant 0 : i32
      %dma_wait3A_701 = arith.constant 0 : i32
      %dma_wait3A_702 = tpu.memref_slice %arg2[%dma_wait3A_700, %dma_wait3A_701] : memref<10240x256xf32, #tpu.memory_space<hbm>> -> memref<10240x256xf32, #tpu.memory_space<hbm>>
      tpu.wait_indirect_dma semaphore(%arg25 : memref<!tpu.dma_semaphore, #tpu.memory_space<semaphore_mem>>) src(%dma_wait3A_702 : memref<10240x256xf32, #tpu.memory_space<hbm>>) dst(%dma_wait3A_697 : memref<16x256xf32, #tpu.memory_space<vmem>>)
      %dma_wait3A_703 = arith.constant 6 : i32
      %dma_wait3A_704 = arith.constant 96 : i32
      %dma_wait3A_705 = arith.constant 0 : i32
      %dma_wait3A_706 = tpu.memref_slice %arg20[%dma_wait3A_704, %dma_wait3A_705] : memref<160x256xf32, #tpu.memory_space<vmem>> -> memref<16x256xf32, #tpu.memory_space<vmem>>
      %dma_wait3A_707 = tpu.memref_slice %arg15[%dma_wait3A_703, %mul3A_12] : memref<10x320xi32, #tpu.memory_space<vmem>> -> memref<1x16xi32, #tpu.memory_space<vmem>>
      %dma_wait3A_708 = tpu.memref_squeeze %dma_wait3A_707 : memref<1x16xi32, #tpu.memory_space<vmem>> -> memref<16xi32, #tpu.memory_space<vmem>>
      %dma_wait3A_709 = arith.constant 0 : i32
      %dma_wait3A_710 = arith.constant 0 : i32
      %dma_wait3A_711 = tpu.memref_slice %arg2[%dma_wait3A_709, %dma_wait3A_710] : memref<10240x256xf32, #tpu.memory_space<hbm>> -> memref<10240x256xf32, #tpu.memory_space<hbm>>
      tpu.wait_indirect_dma semaphore(%arg25 : memref<!tpu.dma_semaphore, #tpu.memory_space<semaphore_mem>>) src(%dma_wait3A_711 : memref<10240x256xf32, #tpu.memory_space<hbm>>) dst(%dma_wait3A_706 : memref<16x256xf32, #tpu.memory_space<vmem>>)
      %dma_wait3A_712 = arith.constant 7 : i32
      %dma_wait3A_713 = arith.constant 112 : i32
      %dma_wait3A_714 = arith.constant 0 : i32
      %dma_wait3A_715 = tpu.memref_slice %arg20[%dma_wait3A_713, %dma_wait3A_714] : memref<160x256xf32, #tpu.memory_space<vmem>> -> memref<16x256xf32, #tpu.memory_space<vmem>>
      %dma_wait3A_716 = tpu.memref_slice %arg15[%dma_wait3A_712, %mul3A_12] : memref<10x320xi32, #tpu.memory_space<vmem>> -> memref<1x16xi32, #tpu.memory_space<vmem>>
      %dma_wait3A_717 = tpu.memref_squeeze %dma_wait3A_716 : memref<1x16xi32, #tpu.memory_space<vmem>> -> memref<16xi32, #tpu.memory_space<vmem>>
      %dma_wait3A_718 = arith.constant 0 : i32
      %dma_wait3A_719 = arith.constant 0 : i32
      %dma_wait3A_720 = tpu.memref_slice %arg2[%dma_wait3A_718, %dma_wait3A_719] : memref<10240x256xf32, #tpu.memory_space<hbm>> -> memref<10240x256xf32, #tpu.memory_space<hbm>>
      tpu.wait_indirect_dma semaphore(%arg25 : memref<!tpu.dma_semaphore, #tpu.memory_space<semaphore_mem>>) src(%dma_wait3A_720 : memref<10240x256xf32, #tpu.memory_space<hbm>>) dst(%dma_wait3A_715 : memref<16x256xf32, #tpu.memory_space<vmem>>)
      %dma_wait3A_721 = arith.constant 8 : i32
      %dma_wait3A_722 = arith.constant 128 : i32
      %dma_wait3A_723 = arith.constant 0 : i32
      %dma_wait3A_724 = tpu.memref_slice %arg20[%dma_wait3A_722, %dma_wait3A_723] : memref<160x256xf32, #tpu.memory_space<vmem>> -> memref<16x256xf32, #tpu.memory_space<vmem>>
      %dma_wait3A_725 = tpu.memref_slice %arg15[%dma_wait3A_721, %mul3A_12] : memref<10x320xi32, #tpu.memory_space<vmem>> -> memref<1x16xi32, #tpu.memory_space<vmem>>
      %dma_wait3A_726 = tpu.memref_squeeze %dma_wait3A_725 : memref<1x16xi32, #tpu.memory_space<vmem>> -> memref<16xi32, #tpu.memory_space<vmem>>
      %dma_wait3A_727 = arith.constant 0 : i32
      %dma_wait3A_728 = arith.constant 0 : i32
      %dma_wait3A_729 = tpu.memref_slice %arg2[%dma_wait3A_727, %dma_wait3A_728] : memref<10240x256xf32, #tpu.memory_space<hbm>> -> memref<10240x256xf32, #tpu.memory_space<hbm>>
      tpu.wait_indirect_dma semaphore(%arg25 : memref<!tpu.dma_semaphore, #tpu.memory_space<semaphore_mem>>) src(%dma_wait3A_729 : memref<10240x256xf32, #tpu.memory_space<hbm>>) dst(%dma_wait3A_724 : memref<16x256xf32, #tpu.memory_space<vmem>>)
      %dma_wait3A_730 = arith.constant 9 : i32
      %dma_wait3A_731 = arith.constant 144 : i32
      %dma_wait3A_732 = arith.constant 0 : i32
      %dma_wait3A_733 = tpu.memref_slice %arg20[%dma_wait3A_731, %dma_wait3A_732] : memref<160x256xf32, #tpu.memory_space<vmem>> -> memref<16x256xf32, #tpu.memory_space<vmem>>
      %dma_wait3A_734 = tpu.memref_slice %arg15[%dma_wait3A_730, %mul3A_12] : memref<10x320xi32, #tpu.memory_space<vmem>> -> memref<1x16xi32, #tpu.memory_space<vmem>>
      %dma_wait3A_735 = tpu.memref_squeeze %dma_wait3A_734 : memref<1x16xi32, #tpu.memory_space<vmem>> -> memref<16xi32, #tpu.memory_space<vmem>>
      %dma_wait3A_736 = arith.constant 0 : i32
      %dma_wait3A_737 = arith.constant 0 : i32
      %dma_wait3A_738 = tpu.memref_slice %arg2[%dma_wait3A_736, %dma_wait3A_737] : memref<10240x256xf32, #tpu.memory_space<hbm>> -> memref<10240x256xf32, #tpu.memory_space<hbm>>
      tpu.wait_indirect_dma semaphore(%arg25 : memref<!tpu.dma_semaphore, #tpu.memory_space<semaphore_mem>>) src(%dma_wait3A_738 : memref<10240x256xf32, #tpu.memory_space<hbm>>) dst(%dma_wait3A_733 : memref<16x256xf32, #tpu.memory_space<vmem>>)
      %dma_wait3A_739 = arith.constant 0 : i32
      %dma_wait3A_740 = tpu.memref_slice %arg10[%add3A_192, %dma_wait3A_739] : memref<10240x256xf32, #tpu.memory_space<hbm>> -> memref<16x256xf32, #tpu.memory_space<hbm>>
      %dma_wait3A_741 = arith.constant 0 : i32
      %dma_wait3A_742 = tpu.memref_slice %arg10[%add3A_192, %dma_wait3A_741] : memref<10240x256xf32, #tpu.memory_space<hbm>> -> memref<16x256xf32, #tpu.memory_space<hbm>>
      tpu.wait_dma2 semaphore(%arg26 : memref<!tpu.dma_semaphore, #tpu.memory_space<semaphore_mem>>) src(%dma_wait3A_742 : memref<16x256xf32, #tpu.memory_space<hbm>>) dst(%arg23 : memref<16x256xf32, #tpu.memory_space<vmem>>)
      %scan3A_743 = arith.constant 0 : i32
      %scan3A_744 = arith.constant 0 : i32
      %scan3A_745 = arith.constant 16 : i32
      %scan3A_746 = arith.addi %scan3A_744, %scan3A_745 : i32
      %scan3A_747 = arith.constant 1 : i32
      %scan3A_748 = scf.for %scan3A_752 = %scan3A_744 to %scan3A_746 step %scan3A_747 iter_args(%scan3A_753 = %scan3A_743) -> (i32)  : i32 {
        %broadcast_in_dim3A = vector.broadcast %scan3A_752 : i32 to vector<16xi32>
        %add3A_754 = arith.constant 0 : i32
        %add3A_755 = vector.broadcast %add3A_754 : i32 to vector<16xi32>
        %add3A_756 = arith.addi %broadcast_in_dim3A, %add3A_755 : vector<16xi32>
        %gather3A_757 = tpu.vector_load_idx %arg21[%add3A_756] : memref<160xf32, #tpu.memory_space<vmem>>[vector<16xi32>], vector<16xf32>,
        %add3A_758 = arith.constant 16 : i32
        %add3A_759 = vector.broadcast %add3A_758 : i32 to vector<16xi32>
        %add3A_760 = arith.addi %broadcast_in_dim3A, %add3A_759 : vector<16xi32>
        %gather3A_761 = tpu.vector_load_idx %arg21[%add3A_760] : memref<160xf32, #tpu.memory_space<vmem>>[vector<16xi32>], vector<16xf32>,
        %add3A_762 = arith.constant 32 : i32
        %add3A_763 = vector.broadcast %add3A_762 : i32 to vector<16xi32>
        %add3A_764 = arith.addi %broadcast_in_dim3A, %add3A_763 : vector<16xi32>
        %gather3A_765 = tpu.vector_load_idx %arg21[%add3A_764] : memref<160xf32, #tpu.memory_space<vmem>>[vector<16xi32>], vector<16xf32>,
        %add3A_766 = arith.constant 48 : i32
        %add3A_767 = vector.broadcast %add3A_766 : i32 to vector<16xi32>
        %add3A_768 = arith.addi %broadcast_in_dim3A, %add3A_767 : vector<16xi32>
        %gather3A_769 = tpu.vector_load_idx %arg21[%add3A_768] : memref<160xf32, #tpu.memory_space<vmem>>[vector<16xi32>], vector<16xf32>,
        %add3A_770 = arith.constant 64 : i32
        %add3A_771 = vector.broadcast %add3A_770 : i32 to vector<16xi32>
        %add3A_772 = arith.addi %broadcast_in_dim3A, %add3A_771 : vector<16xi32>
        %gather3A_773 = tpu.vector_load_idx %arg21[%add3A_772] : memref<160xf32, #tpu.memory_space<vmem>>[vector<16xi32>], vector<16xf32>,
        %add3A_774 = arith.constant 80 : i32
        %add3A_775 = vector.broadcast %add3A_774 : i32 to vector<16xi32>
        %add3A_776 = arith.addi %broadcast_in_dim3A, %add3A_775 : vector<16xi32>
        %gather3A_777 = tpu.vector_load_idx %arg21[%add3A_776] : memref<160xf32, #tpu.memory_space<vmem>>[vector<16xi32>], vector<16xf32>,
        %add3A_778 = arith.constant 96 : i32
        %add3A_779 = vector.broadcast %add3A_778 : i32 to vector<16xi32>
        %add3A_780 = arith.addi %broadcast_in_dim3A, %add3A_779 : vector<16xi32>
        %gather3A_781 = tpu.vector_load_idx %arg21[%add3A_780] : memref<160xf32, #tpu.memory_space<vmem>>[vector<16xi32>], vector<16xf32>,
        %add3A_782 = arith.constant 112 : i32
        %add3A_783 = vector.broadcast %add3A_782 : i32 to vector<16xi32>
        %add3A_784 = arith.addi %broadcast_in_dim3A, %add3A_783 : vector<16xi32>
        %gather3A_785 = tpu.vector_load_idx %arg21[%add3A_784] : memref<160xf32, #tpu.memory_space<vmem>>[vector<16xi32>], vector<16xf32>,
        %add3A_786 = arith.constant 128 : i32
        %add3A_787 = vector.broadcast %add3A_786 : i32 to vector<16xi32>
        %add3A_788 = arith.addi %broadcast_in_dim3A, %add3A_787 : vector<16xi32>
        %gather3A_789 = tpu.vector_load_idx %arg21[%add3A_788] : memref<160xf32, #tpu.memory_space<vmem>>[vector<16xi32>], vector<16xf32>,
        %add3A_790 = arith.constant 144 : i32
        %add3A_791 = vector.broadcast %add3A_790 : i32 to vector<16xi32>
        %add3A_792 = arith.addi %broadcast_in_dim3A, %add3A_791 : vector<16xi32>
        %gather3A_793 = tpu.vector_load_idx %arg21[%add3A_792] : memref<160xf32, #tpu.memory_space<vmem>>[vector<16xi32>], vector<16xf32>,
        %add3A_794 = arith.constant 0 : i32
        %add3A_795 = vector.broadcast %add3A_794 : i32 to vector<16xi32>
        %add3A_796 = arith.addi %broadcast_in_dim3A, %add3A_795 : vector<16xi32>
        %gather3A_797 = tpu.vector_load_idx %arg22[%add3A_796] : memref<160xf32, #tpu.memory_space<vmem>>[vector<16xi32>], vector<16xf32>,
        %add3A_798 = arith.constant 16 : i32
        %add3A_799 = vector.broadcast %add3A_798 : i32 to vector<16xi32>
        %add3A_800 = arith.addi %broadcast_in_dim3A, %add3A_799 : vector<16xi32>
        %gather3A_801 = tpu.vector_load_idx %arg22[%add3A_800] : memref<160xf32, #tpu.memory_space<vmem>>[vector<16xi32>], vector<16xf32>,
        %add3A_802 = arith.constant 32 : i32
        %add3A_803 = vector.broadcast %add3A_802 : i32 to vector<16xi32>
        %add3A_804 = arith.addi %broadcast_in_dim3A, %add3A_803 : vector<16xi32>
        %gather3A_805 = tpu.vector_load_idx %arg22[%add3A_804] : memref<160xf32, #tpu.memory_space<vmem>>[vector<16xi32>], vector<16xf32>,
        %add3A_806 = arith.constant 48 : i32
        %add3A_807 = vector.broadcast %add3A_806 : i32 to vector<16xi32>
        %add3A_808 = arith.addi %broadcast_in_dim3A, %add3A_807 : vector<16xi32>
        %gather3A_809 = tpu.vector_load_idx %arg22[%add3A_808] : memref<160xf32, #tpu.memory_space<vmem>>[vector<16xi32>], vector<16xf32>,
        %add3A_810 = arith.constant 64 : i32
        %add3A_811 = vector.broadcast %add3A_810 : i32 to vector<16xi32>
        %add3A_812 = arith.addi %broadcast_in_dim3A, %add3A_811 : vector<16xi32>
        %gather3A_813 = tpu.vector_load_idx %arg22[%add3A_812] : memref<160xf32, #tpu.memory_space<vmem>>[vector<16xi32>], vector<16xf32>,
        %add3A_814 = arith.constant 80 : i32
        %add3A_815 = vector.broadcast %add3A_814 : i32 to vector<16xi32>
        %add3A_816 = arith.addi %broadcast_in_dim3A, %add3A_815 : vector<16xi32>
        %gather3A_817 = tpu.vector_load_idx %arg22[%add3A_816] : memref<160xf32, #tpu.memory_space<vmem>>[vector<16xi32>], vector<16xf32>,
        %add3A_818 = arith.constant 96 : i32
        %add3A_819 = vector.broadcast %add3A_818 : i32 to vector<16xi32>
        %add3A_820 = arith.addi %broadcast_in_dim3A, %add3A_819 : vector<16xi32>
        %gather3A_821 = tpu.vector_load_idx %arg22[%add3A_820] : memref<160xf32, #tpu.memory_space<vmem>>[vector<16xi32>], vector<16xf32>,
        %add3A_822 = arith.constant 112 : i32
        %add3A_823 = vector.broadcast %add3A_822 : i32 to vector<16xi32>
        %add3A_824 = arith.addi %broadcast_in_dim3A, %add3A_823 : vector<16xi32>
        %gather3A_825 = tpu.vector_load_idx %arg22[%add3A_824] : memref<160xf32, #tpu.memory_space<vmem>>[vector<16xi32>], vector<16xf32>,
        %add3A_826 = arith.constant 128 : i32
        %add3A_827 = vector.broadcast %add3A_826 : i32 to vector<16xi32>
        %add3A_828 = arith.addi %broadcast_in_dim3A, %add3A_827 : vector<16xi32>
        %gather3A_829 = tpu.vector_load_idx %arg22[%add3A_828] : memref<160xf32, #tpu.memory_space<vmem>>[vector<16xi32>], vector<16xf32>,
        %add3A_830 = arith.constant 144 : i32
        %add3A_831 = vector.broadcast %add3A_830 : i32 to vector<16xi32>
        %add3A_832 = arith.addi %broadcast_in_dim3A, %add3A_831 : vector<16xi32>
        %gather3A_833 = tpu.vector_load_idx %arg22[%add3A_832] : memref<160xf32, #tpu.memory_space<vmem>>[vector<16xi32>], vector<16xf32>,
        %scan3A_834 = arith.constant 0 : i32
        %scan3A_835 = arith.constant 0 : i32
        %scan3A_836 = arith.constant 16 : i32
        %scan3A_837 = arith.addi %scan3A_835, %scan3A_836 : i32
        %scan3A_838 = arith.constant 1 : i32
        %scan3A_839 = scf.for %scan3A_842 = %scan3A_835 to %scan3A_837 step %scan3A_838 iter_args(%scan3A_843 = %scan3A_834) -> (i32)  : i32 {
          %mul3A_844 = arith.constant 16 : i32
          %mul3A_845 = arith.muli %scan3A_842, %mul3A_844 : i32
          %get3A_846 = arith.index_cast %scan3A_752 : i32 to index
          %get3A_847 = arith.index_cast %mul3A_845 : i32 to index
          %get3A_848 = tpu.vector_load %arg23[%get3A_846, %get3A_847] {strides = array<i32>} : memref<16x256xf32, #tpu.memory_space<vmem>>, vector<16xf32>,
          %get3A_849 = arith.index_cast %mul3A_845 : i32 to index
          %get3A_850 = tpu.vector_load %arg18[%get3A_849] {strides = array<i32>} : memref<256xf32, #tpu.memory_space<vmem>>, vector<16xf32>,
          %add3A_851 = arith.addf %get3A_848, %get3A_850 : vector<16xf32>
          %add3A_852 = arith.constant 0 : i32
          %add3A_853 = arith.addi %add3A_852, %scan3A_752 : i32
          %get3A_854 = arith.index_cast %add3A_853 : i32 to index
          %get3A_855 = arith.index_cast %mul3A_845 : i32 to index
          %get3A_856 = tpu.vector_load %arg19[%get3A_854, %get3A_855] {strides = array<i32>} : memref<160x256xf32, #tpu.memory_space<vmem>>, vector<16xf32>,
          %mul3A_857 = arith.mulf %gather3A_757, %get3A_856 : vector<16xf32>
          %add3A_858 = arith.addf %add3A_851, %mul3A_857 : vector<16xf32>
          %add3A_859 = arith.constant 16 : i32
          %add3A_860 = arith.addi %add3A_859, %scan3A_752 : i32
          %get3A_861 = arith.index_cast %add3A_860 : i32 to index
          %get3A_862 = arith.index_cast %mul3A_845 : i32 to index
          %get3A_863 = tpu.vector_load %arg19[%get3A_861, %get3A_862] {strides = array<i32>} : memref<160x256xf32, #tpu.memory_space<vmem>>, vector<16xf32>,
          %mul3A_864 = arith.mulf %gather3A_761, %get3A_863 : vector<16xf32>
          %add3A_865 = arith.addf %add3A_858, %mul3A_864 : vector<16xf32>
          %add3A_866 = arith.constant 32 : i32
          %add3A_867 = arith.addi %add3A_866, %scan3A_752 : i32
          %get3A_868 = arith.index_cast %add3A_867 : i32 to index
          %get3A_869 = arith.index_cast %mul3A_845 : i32 to index
          %get3A_870 = tpu.vector_load %arg19[%get3A_868, %get3A_869] {strides = array<i32>} : memref<160x256xf32, #tpu.memory_space<vmem>>, vector<16xf32>,
          %mul3A_871 = arith.mulf %gather3A_765, %get3A_870 : vector<16xf32>
          %add3A_872 = arith.addf %add3A_865, %mul3A_871 : vector<16xf32>
          %add3A_873 = arith.constant 48 : i32
          %add3A_874 = arith.addi %add3A_873, %scan3A_752 : i32
          %get3A_875 = arith.index_cast %add3A_874 : i32 to index
          %get3A_876 = arith.index_cast %mul3A_845 : i32 to index
          %get3A_877 = tpu.vector_load %arg19[%get3A_875, %get3A_876] {strides = array<i32>} : memref<160x256xf32, #tpu.memory_space<vmem>>, vector<16xf32>,
          %mul3A_878 = arith.mulf %gather3A_769, %get3A_877 : vector<16xf32>
          %add3A_879 = arith.addf %add3A_872, %mul3A_878 : vector<16xf32>
          %add3A_880 = arith.constant 64 : i32
          %add3A_881 = arith.addi %add3A_880, %scan3A_752 : i32
          %get3A_882 = arith.index_cast %add3A_881 : i32 to index
          %get3A_883 = arith.index_cast %mul3A_845 : i32 to index
          %get3A_884 = tpu.vector_load %arg19[%get3A_882, %get3A_883] {strides = array<i32>} : memref<160x256xf32, #tpu.memory_space<vmem>>, vector<16xf32>,
          %mul3A_885 = arith.mulf %gather3A_773, %get3A_884 : vector<16xf32>
          %add3A_886 = arith.addf %add3A_879, %mul3A_885 : vector<16xf32>
          %add3A_887 = arith.constant 80 : i32
          %add3A_888 = arith.addi %add3A_887, %scan3A_752 : i32
          %get3A_889 = arith.index_cast %add3A_888 : i32 to index
          %get3A_890 = arith.index_cast %mul3A_845 : i32 to index
          %get3A_891 = tpu.vector_load %arg19[%get3A_889, %get3A_890] {strides = array<i32>} : memref<160x256xf32, #tpu.memory_space<vmem>>, vector<16xf32>,
          %mul3A_892 = arith.mulf %gather3A_777, %get3A_891 : vector<16xf32>
          %add3A_893 = arith.addf %add3A_886, %mul3A_892 : vector<16xf32>
          %add3A_894 = arith.constant 96 : i32
          %add3A_895 = arith.addi %add3A_894, %scan3A_752 : i32
          %get3A_896 = arith.index_cast %add3A_895 : i32 to index
          %get3A_897 = arith.index_cast %mul3A_845 : i32 to index
          %get3A_898 = tpu.vector_load %arg19[%get3A_896, %get3A_897] {strides = array<i32>} : memref<160x256xf32, #tpu.memory_space<vmem>>, vector<16xf32>,
          %mul3A_899 = arith.mulf %gather3A_781, %get3A_898 : vector<16xf32>
          %add3A_900 = arith.addf %add3A_893, %mul3A_899 : vector<16xf32>
          %add3A_901 = arith.constant 112 : i32
          %add3A_902 = arith.addi %add3A_901, %scan3A_752 : i32
          %get3A_903 = arith.index_cast %add3A_902 : i32 to index
          %get3A_904 = arith.index_cast %mul3A_845 : i32 to index
          %get3A_905 = tpu.vector_load %arg19[%get3A_903, %get3A_904] {strides = array<i32>} : memref<160x256xf32, #tpu.memory_space<vmem>>, vector<16xf32>,
          %mul3A_906 = arith.mulf %gather3A_785, %get3A_905 : vector<16xf32>
          %add3A_907 = arith.addf %add3A_900, %mul3A_906 : vector<16xf32>
          %add3A_908 = arith.constant 128 : i32
          %add3A_909 = arith.addi %add3A_908, %scan3A_752 : i32
          %get3A_910 = arith.index_cast %add3A_909 : i32 to index
          %get3A_911 = arith.index_cast %mul3A_845 : i32 to index
          %get3A_912 = tpu.vector_load %arg19[%get3A_910, %get3A_911] {strides = array<i32>} : memref<160x256xf32, #tpu.memory_space<vmem>>, vector<16xf32>,
          %mul3A_913 = arith.mulf %gather3A_789, %get3A_912 : vector<16xf32>
          %add3A_914 = arith.addf %add3A_907, %mul3A_913 : vector<16xf32>
          %add3A_915 = arith.constant 144 : i32
          %add3A_916 = arith.addi %add3A_915, %scan3A_752 : i32
          %get3A_917 = arith.index_cast %add3A_916 : i32 to index
          %get3A_918 = arith.index_cast %mul3A_845 : i32 to index
          %get3A_919 = tpu.vector_load %arg19[%get3A_917, %get3A_918] {strides = array<i32>} : memref<160x256xf32, #tpu.memory_space<vmem>>, vector<16xf32>,
          %mul3A_920 = arith.mulf %gather3A_793, %get3A_919 : vector<16xf32>
          %add3A_921 = arith.addf %add3A_914, %mul3A_920 : vector<16xf32>
          %add3A_922 = arith.constant 0 : i32
          %add3A_923 = arith.addi %add3A_922, %scan3A_752 : i32
          %get3A_924 = arith.index_cast %add3A_923 : i32 to index
          %get3A_925 = arith.index_cast %mul3A_845 : i32 to index
          %get3A_926 = tpu.vector_load %arg20[%get3A_924, %get3A_925] {strides = array<i32>} : memref<160x256xf32, #tpu.memory_space<vmem>>, vector<16xf32>,
          %mul3A_927 = arith.mulf %gather3A_797, %get3A_926 : vector<16xf32>
          %add3A_928 = arith.addf %add3A_921, %mul3A_927 : vector<16xf32>
          %add3A_929 = arith.constant 16 : i32
          %add3A_930 = arith.addi %add3A_929, %scan3A_752 : i32
          %get3A_931 = arith.index_cast %add3A_930 : i32 to index
          %get3A_932 = arith.index_cast %mul3A_845 : i32 to index
          %get3A_933 = tpu.vector_load %arg20[%get3A_931, %get3A_932] {strides = array<i32>} : memref<160x256xf32, #tpu.memory_space<vmem>>, vector<16xf32>,
          %mul3A_934 = arith.mulf %gather3A_801, %get3A_933 : vector<16xf32>
          %add3A_935 = arith.addf %add3A_928, %mul3A_934 : vector<16xf32>
          %add3A_936 = arith.constant 32 : i32
          %add3A_937 = arith.addi %add3A_936, %scan3A_752 : i32
          %get3A_938 = arith.index_cast %add3A_937 : i32 to index
          %get3A_939 = arith.index_cast %mul3A_845 : i32 to index
          %get3A_940 = tpu.vector_load %arg20[%get3A_938, %get3A_939] {strides = array<i32>} : memref<160x256xf32, #tpu.memory_space<vmem>>, vector<16xf32>,
          %mul3A_941 = arith.mulf %gather3A_805, %get3A_940 : vector<16xf32>
          %add3A_942 = arith.addf %add3A_935, %mul3A_941 : vector<16xf32>
          %add3A_943 = arith.constant 48 : i32
          %add3A_944 = arith.addi %add3A_943, %scan3A_752 : i32
          %get3A_945 = arith.index_cast %add3A_944 : i32 to index
          %get3A_946 = arith.index_cast %mul3A_845 : i32 to index
          %get3A_947 = tpu.vector_load %arg20[%get3A_945, %get3A_946] {strides = array<i32>} : memref<160x256xf32, #tpu.memory_space<vmem>>, vector<16xf32>,
          %mul3A_948 = arith.mulf %gather3A_809, %get3A_947 : vector<16xf32>
          %add3A_949 = arith.addf %add3A_942, %mul3A_948 : vector<16xf32>
          %add3A_950 = arith.constant 64 : i32
          %add3A_951 = arith.addi %add3A_950, %scan3A_752 : i32
          %get3A_952 = arith.index_cast %add3A_951 : i32 to index
          %get3A_953 = arith.index_cast %mul3A_845 : i32 to index
          %get3A_954 = tpu.vector_load %arg20[%get3A_952, %get3A_953] {strides = array<i32>} : memref<160x256xf32, #tpu.memory_space<vmem>>, vector<16xf32>,
          %mul3A_955 = arith.mulf %gather3A_813, %get3A_954 : vector<16xf32>
          %add3A_956 = arith.addf %add3A_949, %mul3A_955 : vector<16xf32>
          %add3A_957 = arith.constant 80 : i32
          %add3A_958 = arith.addi %add3A_957, %scan3A_752 : i32
          %get3A_959 = arith.index_cast %add3A_958 : i32 to index
          %get3A_960 = arith.index_cast %mul3A_845 : i32 to index
          %get3A_961 = tpu.vector_load %arg20[%get3A_959, %get3A_960] {strides = array<i32>} : memref<160x256xf32, #tpu.memory_space<vmem>>, vector<16xf32>,
          %mul3A_962 = arith.mulf %gather3A_817, %get3A_961 : vector<16xf32>
          %add3A_963 = arith.addf %add3A_956, %mul3A_962 : vector<16xf32>
          %add3A_964 = arith.constant 96 : i32
          %add3A_965 = arith.addi %add3A_964, %scan3A_752 : i32
          %get3A_966 = arith.index_cast %add3A_965 : i32 to index
          %get3A_967 = arith.index_cast %mul3A_845 : i32 to index
          %get3A_968 = tpu.vector_load %arg20[%get3A_966, %get3A_967] {strides = array<i32>} : memref<160x256xf32, #tpu.memory_space<vmem>>, vector<16xf32>,
          %mul3A_969 = arith.mulf %gather3A_821, %get3A_968 : vector<16xf32>
          %add3A_970 = arith.addf %add3A_963, %mul3A_969 : vector<16xf32>
          %add3A_971 = arith.constant 112 : i32
          %add3A_972 = arith.addi %add3A_971, %scan3A_752 : i32
          %get3A_973 = arith.index_cast %add3A_972 : i32 to index
          %get3A_974 = arith.index_cast %mul3A_845 : i32 to index
          %get3A_975 = tpu.vector_load %arg20[%get3A_973, %get3A_974] {strides = array<i32>} : memref<160x256xf32, #tpu.memory_space<vmem>>, vector<16xf32>,
          %mul3A_976 = arith.mulf %gather3A_825, %get3A_975 : vector<16xf32>
          %add3A_977 = arith.addf %add3A_970, %mul3A_976 : vector<16xf32>
          %add3A_978 = arith.constant 128 : i32
          %add3A_979 = arith.addi %add3A_978, %scan3A_752 : i32
          %get3A_980 = arith.index_cast %add3A_979 : i32 to index
          %get3A_981 = arith.index_cast %mul3A_845 : i32 to index
          %get3A_982 = tpu.vector_load %arg20[%get3A_980, %get3A_981] {strides = array<i32>} : memref<160x256xf32, #tpu.memory_space<vmem>>, vector<16xf32>,
          %mul3A_983 = arith.mulf %gather3A_829, %get3A_982 : vector<16xf32>
          %add3A_984 = arith.addf %add3A_977, %mul3A_983 : vector<16xf32>
          %add3A_985 = arith.constant 144 : i32
          %add3A_986 = arith.addi %add3A_985, %scan3A_752 : i32
          %get3A_987 = arith.index_cast %add3A_986 : i32 to index
          %get3A_988 = arith.index_cast %mul3A_845 : i32 to index
          %get3A_989 = tpu.vector_load %arg20[%get3A_987, %get3A_988] {strides = array<i32>} : memref<160x256xf32, #tpu.memory_space<vmem>>, vector<16xf32>,
          %mul3A_990 = arith.mulf %gather3A_833, %get3A_989 : vector<16xf32>
          %add3A_991 = arith.addf %add3A_984, %mul3A_990 : vector<16xf32>
          %max3A_992 = arith.constant 0.000000e+00 : f32
          %max3A_993 = vector.broadcast %max3A_992 : f32 to vector<16xf32>
          %max3A_994 = arith.maximumf %add3A_991, %max3A_993 : vector<16xf32>
          %swap3A_995 = arith.index_cast %scan3A_752 : i32 to index
          %swap3A_996 = arith.index_cast %mul3A_845 : i32 to index
          %swap3A_997 = tpu.vector_load %arg24[%swap3A_995, %swap3A_996] {strides = array<i32>} : memref<16x256xf32, #tpu.memory_space<vmem>>, vector<16xf32>,
          tpu.vector_store %arg24[%swap3A_995, %swap3A_996], %max3A_994 {strides = array<i32>} : memref<16x256xf32, #tpu.memory_space<vmem>>, vector<16xf32>,
          %scan3A_998 = arith.constant 0 : i32
          scf.yield %scan3A_998 : i32
        }
        %scan3A_840 = arith.constant 16 : i32
        %scan3A_841 = arith.constant 0 : i32
        scf.yield %scan3A_841 : i32
      }
      %scan3A_749 = arith.constant 16 : i32
      %add3A_750 = arith.addi %mul3A_2, %mul3A_12 : i32
      "tpu.region"() ({
        %run_scoped3A = tpu.sem_alloc : memref<!tpu.dma_semaphore, #tpu.memory_space<semaphore_mem>>
        %dma_start3A_752 = arith.constant 0 : i32
        %dma_start3A_753 = tpu.memref_slice %arg11[%add3A_750, %dma_start3A_752] : memref<10240x256xf32, #tpu.memory_space<hbm>> -> memref<16x256xf32, #tpu.memory_space<hbm>>
        %dma_start3A_754 = arith.constant 0 : i32
        %dma_start3A_755 = tpu.memref_slice %arg11[%add3A_750, %dma_start3A_754] : memref<10240x256xf32, #tpu.memory_space<hbm>> -> memref<16x256xf32, #tpu.memory_space<hbm>>
        tpu.enqueue_dma source(%arg24 : memref<16x256xf32, #tpu.memory_space<vmem>>) target(%dma_start3A_755 : memref<16x256xf32, #tpu.memory_space<hbm>>) target_semaphore(%run_scoped3A : memref<!tpu.dma_semaphore, #tpu.memory_space<semaphore_mem>>)
        %dma_wait3A_756 = arith.constant 0 : i32
        %dma_wait3A_757 = tpu.memref_slice %arg11[%add3A_750, %dma_wait3A_756] : memref<10240x256xf32, #tpu.memory_space<hbm>> -> memref<16x256xf32, #tpu.memory_space<hbm>>
        %dma_wait3A_758 = arith.constant 0 : i32
        %dma_wait3A_759 = tpu.memref_slice %arg11[%add3A_750, %dma_wait3A_758] : memref<10240x256xf32, #tpu.memory_space<hbm>> -> memref<16x256xf32, #tpu.memory_space<hbm>>
        tpu.wait_dma2 semaphore(%run_scoped3A : memref<!tpu.dma_semaphore, #tpu.memory_space<semaphore_mem>>) src(%arg24 : memref<16x256xf32, #tpu.memory_space<vmem>>) dst(%dma_wait3A_759 : memref<16x256xf32, #tpu.memory_space<hbm>>)
        tpu.yield
      }) : () -> ()
      %scan3A_751 = arith.constant 0 : i32
      scf.yield %scan3A_751 : i32
    }
    %scan3A_8 = arith.constant 20 : i32
    return
  }
}

module attributes {stable_mosaic.version = 14 : i64} {
  func.func @_tc_body(%arg0: i32, %arg1: memref<512x256xf32, #tpu.memory_space<vmem>>, %arg2: memref<256x256xf32, #tpu.memory_space<vmem>>, %arg3: memref<256x256xf32, #tpu.memory_space<vmem>>, %arg4: memref<256x1xf32, #tpu.memory_space<vmem>>, %arg5: memref<256x1xf32, #tpu.memory_space<vmem>>, %arg6: memref<512x256xf32, #tpu.memory_space<vmem>>, %arg7: memref<512x256xf32, #tpu.memory_space<vmem>>, %arg8: memref<512x1xf32, #tpu.memory_space<vmem>>, %arg9: memref<512x1xf32, #tpu.memory_space<vmem>>) attributes {dimension_semantics = [#tpu.dimension_semantics<arbitrary>], iteration_bounds = array<i64: 20>, scalar_prefetch = 0 : i64, scratch_operands = 0 : i64, tpu.core_type = #tpu.core_type<tc>, window_params = [{transform_indices = @transform_0, window_bounds = array<i64: 512, 256>}, {pipeline_mode = #tpu.pipeline_mode<synchronous>, transform_indices = @transform_1, window_bounds = array<i64: 256, 256>}, {pipeline_mode = #tpu.pipeline_mode<synchronous>, transform_indices = @transform_2, window_bounds = array<i64: 256, 256>}, {pipeline_mode = #tpu.pipeline_mode<synchronous>, transform_indices = @transform_3, window_bounds = array<i64: 256, 1>}, {pipeline_mode = #tpu.pipeline_mode<synchronous>, transform_indices = @transform_4, window_bounds = array<i64: 256, 1>}, {transform_indices = @transform_5, window_bounds = array<i64: 512, 256>}, {transform_indices = @transform_6, window_bounds = array<i64: 512, 256>}, {transform_indices = @transform_7, window_bounds = array<i64: 512, 1>}, {transform_indices = @transform_8, window_bounds = array<i64: 512, 1>}]} {
    %get3A = arith.constant 0 : index
    %get3A_0 = arith.constant 0 : index
    %get3A_1 = vector.load %arg1[%get3A, %get3A_0] : memref<512x256xf32, #tpu.memory_space<vmem>>, vector<512x256xf32>
    %get3A_2 = arith.constant 0 : index
    %get3A_3 = arith.constant 0 : index
    %get3A_4 = vector.load %arg2[%get3A_2, %get3A_3] : memref<256x256xf32, #tpu.memory_space<vmem>>, vector<256x256xf32>
    %dot_general3A = arith.constant dense<0.000000e+00> : vector<512x256xf32>
    %dot_general3A_5 = tpu.matmul %get3A_1, %get3A_4, %dot_general3A {dimension_numbers = #tpu.dot_dimension_numbers<[1], [0], [0], [1], [0, 0, 1, 1], [], []>, transpose_lhs_hint = false} : vector<512x256xf32>, vector<256x256xf32>, vector<512x256xf32> -> vector<512x256xf32>
    %get3A_6 = arith.constant 0 : index
    %get3A_7 = arith.constant 0 : index
    %get3A_8 = vector.load %arg3[%get3A_6, %get3A_7] : memref<256x256xf32, #tpu.memory_space<vmem>>, vector<256x256xf32>
    %dot_general3A_9 = arith.constant dense<0.000000e+00> : vector<512x256xf32>
    %dot_general3A_10 = tpu.matmul %get3A_1, %get3A_8, %dot_general3A_9 {dimension_numbers = #tpu.dot_dimension_numbers<[1], [0], [0], [1], [0, 0, 1, 1], [], []>, transpose_lhs_hint = false} : vector<512x256xf32>, vector<256x256xf32>, vector<512x256xf32> -> vector<512x256xf32>
    %swap3A = arith.constant 0 : index
    %swap3A_11 = arith.constant 0 : index
    %swap3A_12 = vector.load %arg6[%swap3A, %swap3A_11] : memref<512x256xf32, #tpu.memory_space<vmem>>, vector<512x256xf32>
    tpu.vector_store %arg6[%swap3A, %swap3A_11], %dot_general3A_5 {strides = array<i32>} : memref<512x256xf32, #tpu.memory_space<vmem>>, vector<512x256xf32>,
    %swap3A_13 = arith.constant 0 : index
    %swap3A_14 = arith.constant 0 : index
    %swap3A_15 = vector.load %arg7[%swap3A_13, %swap3A_14] : memref<512x256xf32, #tpu.memory_space<vmem>>, vector<512x256xf32>
    tpu.vector_store %arg7[%swap3A_13, %swap3A_14], %dot_general3A_10 {strides = array<i32>} : memref<512x256xf32, #tpu.memory_space<vmem>>, vector<512x256xf32>,
    %get3A_16 = arith.constant 0 : index
    %get3A_17 = arith.constant 0 : index
    %get3A_18 = vector.load %arg4[%get3A_16, %get3A_17] : memref<256x1xf32, #tpu.memory_space<vmem>>, vector<256x1xf32>
    %dot_general3A_19 = arith.constant dense<0.000000e+00> : vector<512x1xf32>
    %dot_general3A_20 = tpu.matmul %dot_general3A_10, %get3A_18, %dot_general3A_19 {dimension_numbers = #tpu.dot_dimension_numbers<[1], [0], [0], [1], [0, 0, 1, 1], [], []>, transpose_lhs_hint = false} : vector<512x256xf32>, vector<256x1xf32>, vector<512x1xf32> -> vector<512x1xf32>
    %swap3A_21 = arith.constant 0 : index
    %swap3A_22 = arith.constant 0 : index
    %swap3A_23 = vector.load %arg8[%swap3A_21, %swap3A_22] : memref<512x1xf32, #tpu.memory_space<vmem>>, vector<512x1xf32>
    tpu.vector_store %arg8[%swap3A_21, %swap3A_22], %dot_general3A_20 {strides = array<i32>} : memref<512x1xf32, #tpu.memory_space<vmem>>, vector<512x1xf32>,
    %get3A_24 = arith.constant 0 : index
    %get3A_25 = arith.constant 0 : index
    %get3A_26 = vector.load %arg5[%get3A_24, %get3A_25] : memref<256x1xf32, #tpu.memory_space<vmem>>, vector<256x1xf32>
    %dot_general3A_27 = arith.constant dense<0.000000e+00> : vector<512x1xf32>
    %dot_general3A_28 = tpu.matmul %dot_general3A_5, %get3A_26, %dot_general3A_27 {dimension_numbers = #tpu.dot_dimension_numbers<[1], [0], [0], [1], [0, 0, 1, 1], [], []>, transpose_lhs_hint = false} : vector<512x256xf32>, vector<256x1xf32>, vector<512x1xf32> -> vector<512x1xf32>
    %swap3A_29 = arith.constant 0 : index
    %swap3A_30 = arith.constant 0 : index
    %swap3A_31 = vector.load %arg9[%swap3A_29, %swap3A_30] : memref<512x1xf32, #tpu.memory_space<vmem>>, vector<512x1xf32>
    tpu.vector_store %arg9[%swap3A_29, %swap3A_30], %dot_general3A_28 {strides = array<i32>} : memref<512x1xf32, #tpu.memory_space<vmem>>, vector<512x1xf32>,
    return
  }
  func.func @transform_0(%arg0: i32) -> (i32, i32) {
    %c0_i32 = arith.constant 0 : i32
    %c0_i32_0 = arith.constant 0 : i32
    return %arg0, %c0_i32 : i32, i32
  }
  func.func @transform_1(%arg0: i32) -> (i32, i32) {
    %c0_i32 = arith.constant 0 : i32
    %c0_i32_0 = arith.constant 0 : i32
    %c0_i32_1 = arith.constant 0 : i32
    return %c0_i32, %c0_i32_0 : i32, i32
  }
  func.func @transform_2(%arg0: i32) -> (i32, i32) {
    %c0_i32 = arith.constant 0 : i32
    %c0_i32_0 = arith.constant 0 : i32
    %c0_i32_1 = arith.constant 0 : i32
    return %c0_i32, %c0_i32_0 : i32, i32
  }
  func.func @transform_3(%arg0: i32) -> (i32, i32) {
    %c0_i32 = arith.constant 0 : i32
    %c0_i32_0 = arith.constant 0 : i32
    %c0_i32_1 = arith.constant 0 : i32
    return %c0_i32, %c0_i32_0 : i32, i32
  }
  func.func @transform_4(%arg0: i32) -> (i32, i32) {
    %c0_i32 = arith.constant 0 : i32
    %c0_i32_0 = arith.constant 0 : i32
    %c0_i32_1 = arith.constant 0 : i32
    return %c0_i32, %c0_i32_0 : i32, i32
  }
  func.func @transform_5(%arg0: i32) -> (i32, i32) {
    %c0_i32 = arith.constant 0 : i32
    %c0_i32_0 = arith.constant 0 : i32
    return %arg0, %c0_i32 : i32, i32
  }
  func.func @transform_6(%arg0: i32) -> (i32, i32) {
    %c0_i32 = arith.constant 0 : i32
    %c0_i32_0 = arith.constant 0 : i32
    return %arg0, %c0_i32 : i32, i32
  }
  func.func @transform_7(%arg0: i32) -> (i32, i32) {
    %c0_i32 = arith.constant 0 : i32
    %c0_i32_0 = arith.constant 0 : i32
    return %arg0, %c0_i32 : i32, i32
  }
  func.func @transform_8(%arg0: i32) -> (i32, i32) {
    %c0_i32 = arith.constant 0 : i32
    %c0_i32_0 = arith.constant 0 : i32
    return %arg0, %c0_i32 : i32, i32
  }
}

</mosaic_0001>

<sc_bundles>
// kernel: kernel.4.cloned.1.call-start
scs
__scs_entry_jumppad:
0x0: {  	(pc) =	sbr.rel $0x88, $3  }
0x1: {  	(tag) =	ssettag $0x0;
	lr =	simm.s32 $0x1  }
0x2: {  	[smem:$0x3F98] =	sst lr;
	_ =	strace $0xD0000000  }
0x3: {  	_ = 	snop  }
0x4: {  	_ = 	snop  }
0x5: {  	_ = 	snop  }
0x6: {  	_ = 	snop  }
0x7: {  	_ = 	snop  }
__scs_overlays_trampoline_lowered:
0x8: {  	[smem:$0x3FA7] =	sst s0  }
0x9: {  	[smem:$0x3FA8] =	sst s1  }
0xa: {  	[smem:$0x3FA9] =	sst s2  }
0xb: {  	[smem:$0x3FAA] =	sst s3  }
0xc: {  	[smem:$0x3FAB] =	sst s4  }
0xd: {  	[smem:$0x3FAC] =	sst s5  }
0xe: {  	[smem:$0x3FAD] =	sst s6  }
0xf: {  	[smem:$0x3FAE] =	sst s7  }
0x10: {  	[smem:$0x3FAF] =	sst s8  }
0x11: {  	[smem:$0x3FB0] =	sst s9;
	s0 =	simm.s32 @!p0 $0x0  }
0x12: {  	s1 =	sld [smem:$0x3F96];
	s0 =	simm.s32 @p0 $0x1  }
0x13: {  	[smem:$0x3FB1] =	sst s0;
	s0 =	simm.s32 @!p1 $0x0  }
0x14: {  	s2 =	sld [smem:$0x3F95];
	s0 =	simm.s32 @p1 $0x1  }
0x15: {  	[smem:$0x3FB2] =	sst s0;
	s0 =	simm.s32 @!p2 $0x0  }
0x16: {  	s3 =	sld [smem:$0x3FDB];
	s0 =	simm.s32 @p2 $0x1  }
0x17: {  	s4 =	simm.s32 $0x1BF5;
	[smem:$0x3FB4] =	sst s0  }
0x18: {  	s0 =	sld [smem:$0x3F97];
	_ =	swait.ge [sflag:s4], $0x0  }
0x19: {  	s7 =	sld [smem:$0x3F98]  }
0x1a: {  	s8 =	sadd.s32 $0xFFFFE003, lr  }
0x1b: {  	s9 =	sadd.s32 $0xFFFFFEF7, lr;
	s5 =	simm.s32 $0xFFFFFFFF;
	p2 =	slt.u32 s8, $0xFFFFF086  }
0x1c: {  	p1 =	slt.u32 s9, $0xF7A;
	s5 =	simm.s32 @!p2 $0x0  }
0x1d: {  	s5 =	simm.s32 @p1 $0x1;
	p0 =	seq.s32 s7, s2  }
0x1e: {  	s7 =	smul.u32 @!p0 $0xF7A, s2;
	p2 =	seq.s32 @!p0 s5, $0x0  }
0x1f: {  	s9 =	smul.u32 $0xF7A, s1;
	s8 =	simm.s32 @!p0 $0x1BF5;
	p2 =	por !p2, p0  }
0x20: {  	[sflag:s8] =	ssyncset.s32 @!p0 $0xFFFFF086;
	s6 =	sadd.s32 @!p0 s3, s7;
	s7 =	simm.s32 @!p0 $0x108  }
0x21: {  	s3 =	sadd.s32 s3, s9;
	s6 =	sadd.s32 @!p0 $0x88, s6;
	s7 =	simm.s32 @p2 $0x1082  }
0x22: {  	[simem:s7], [sflag:s8] =	dma.local @!p0 [hbm:s6], $0xF7A  }
0x23: {  	s9 =	sor.u32 $0xD0000000, s2;
	s6 =	simm.s32 $0x108;
	_ =	swait.ge @!p0 [sflag:s8], $0x0  }
0x24: {  	s3 =	sadd.s32 $0x88, s3;
	s6 =	simm.s32 @!p1 $0x1082;
	[sflag:s4] =	ssyncset.s32 $0xFFFFF086  }
0x25: {  	[simem:s6], [sflag:s4] =	dma.local [hbm:s3], $0xF7A  }
0x26: {  	[smem:$0x3F98] =	sst s1;
	(tag) =	ssettag s2;
	_ =	strace s9  }
0x27: {  	s1 =	sld [smem:$0x3FA8]  }
0x28: {  	s2 =	sld [smem:$0x3FA9]  }
0x29: {  	s4 =	sld [smem:$0x3FAB]  }
0x2a: {  	p0 =	seq.s32 s5, $0x0;
	s5 =	sld [smem:$0x3FAC]  }
0x2b: {  	s6 =	sld [smem:$0x3FAD]  }
0x2c: {  	s7 =	sld [smem:$0x3FAE]  }
0x2d: {  	s3 =	simm.s32 $0x108;
	s8 =	sld [smem:$0x3FAF]  }
0x2e: {  	s3 =	simm.s32 @!p0 $0x1082;
	s9 =	sld [smem:$0x3FB0]  }
0x2f: {  	lr =	sadd.s32 s0, s3;
	s0 =	sld [smem:$0x3FA7]  }
0x30: {  	s3 =	sld [smem:$0x3FAA]  }
0x31: {  	[smem:$0x3FB3] =	sst s10  }
0x32: {  	s10 =	sld [smem:$0x3FB1];
	_ =	sdelay $0x3  }
0x33: {  	p0 =	seq.s32 s10, $0x1;
	s10 =	sld [smem:$0x3FB3];
	_ =	sdelay $0x3  }
0x34: {  	[smem:$0x3FB3] =	sst s10  }
0x35: {  	s10 =	sld [smem:$0x3FB2];
	_ =	sdelay $0x3  }
0x36: {  	p1 =	seq.s32 s10, $0x1;
	s10 =	sld [smem:$0x3FB3];
	_ =	sdelay $0x3  }
0x37: {  	[smem:$0x3FB3] =	sst s10  }
0x38: {  	s10 =	sld [smem:$0x3FB4]  }
0x39: {  	_ = 	snop;
	(pc) =	sbr.ind lr, $3  }
0x3a: {  	_ = 	snop  }
0x3b: {  	_ = 	snop  }
0x3c: {  	p2 =	seq.s32 s10, $0x1;
	s10 =	sld [smem:$0x3FB3]  }
0x3d: {  	_ =	shalt  }
0x3e: {  	_ =	shalt  }
0x3f: {  	_ =	shalt  }
0x40: {  	_ =	shalt  }
0x41: {  	_ =	shalt  }
0x42: {  	_ =	shalt  }
0x43: {  	_ =	shalt  }
0x44: {  	_ =	shalt  }
0x45: {  	_ =	shalt  }
0x46: {  	_ =	shalt  }
0x47: {  	_ =	shalt  }
0x48: {  	_ =	shalt  }
0x49: {  	_ =	shalt  }
0x4a: {  	_ =	shalt  }
0x4b: {  	_ =	shalt  }
0x4c: {  	_ =	shalt  }
0x4d: {  	_ =	shalt  }
0x4e: {  	_ =	shalt  }
0x4f: {  	_ =	shalt  }
0x50: {  	_ =	shalt  }
0x51: {  	_ =	shalt  }
0x52: {  	_ =	shalt  }
0x53: {  	_ =	shalt  }
0x54: {  	_ =	shalt  }
0x55: {  	_ =	shalt  }
0x56: {  	_ =	shalt  }
0x57: {  	_ =	shalt  }
0x58: {  	_ =	shalt  }
0x59: {  	_ =	shalt  }
0x5a: {  	_ =	shalt  }
0x5b: {  	_ =	shalt  }
0x5c: {  	_ =	shalt  }
0x5d: {  	_ =	shalt  }
0x5e: {  	_ =	shalt  }
0x5f: {  	_ =	shalt  }
0x60: {  	_ =	shalt  }
0x61: {  	_ =	shalt  }
0x62: {  	_ =	shalt  }
0x63: {  	_ =	shalt  }
0x64: {  	_ =	shalt  }
0x65: {  	_ =	shalt  }
0x66: {  	_ =	shalt  }
0x67: {  	_ =	shalt  }
0x68: {  	_ =	shalt  }
0x69: {  	_ =	shalt  }
0x6a: {  	_ =	shalt  }
0x6b: {  	_ =	shalt  }
0x6c: {  	_ =	shalt  }
0x6d: {  	_ =	shalt  }
0x6e: {  	_ =	shalt  }
0x6f: {  	_ =	shalt  }
0x70: {  	_ =	shalt  }
0x71: {  	_ =	shalt  }
0x72: {  	_ =	shalt  }
0x73: {  	_ =	shalt  }
0x74: {  	_ =	shalt  }
0x75: {  	_ =	shalt  }
0x76: {  	_ =	shalt  }
0x77: {  	_ =	shalt  }
0x78: {  	_ =	shalt  }
0x79: {  	_ =	shalt  }
0x7a: {  	_ =	shalt  }
0x7b: {  	_ =	shalt  }
0x7c: {  	_ =	shalt  }
0x7d: {  	_ =	shalt  }
0x7e: {  	_ =	shalt  }
0x7f: {  	_ =	shalt  }
0x80: {  	_ =	shalt  }
0x81: {  	_ =	shalt  }
0x82: {  	_ =	shalt  }
0x83: {  	_ =	shalt  }
0x84: {  	_ =	shalt  }
0x85: {  	_ =	shalt  }
0x86: {  	_ =	shalt  }
0x87: {  	_ =	shalt  }
.Lfunc_end0:
.L_simem_size_0:
called_computation_lowered:
.L_overlay_start_0:
0x88: {  	s2 =	sld [smem:$0x3FD9]  }
0x89: {  	s3 =	sld [smem:$0x3FFE];
	_ =	sdelay $0x1  }
0x8a: {  	s1 =	srdreg.scid  }
0x8b: {  	s0 =	sand.u32 $0x1, s1  }
0x8c: {  	s14 =	sshll.u32 s0, $0xA;
	s2 =	sadd.s32 s3, s2  }
0x8d: {  	s2 =	sadd.s32 s2, s14  }
0x8e: {  	[smem:$0x3FBF] =	sst s2  }
0x8f: {  	_ = 	snop  }
0x90: {  	s2 =	sld [smem:$0x3FD0];
	_ =	sdelay $0x2  }
0x91: {  	s4 =	simm.s32 $0xA;
	s5 =	simm.s32 $0x10;
	s15 =	sld [smem:$0x3FC3]  }
0x92: {  	[smem:s5], [sflag:s4] =	dma.local [hbm:s2], $0x1  }
0x93: {  	_ =	swait.eq [sflag:s4], $0x1  }
0x94: {  	s16 =	sld [smem:$0x10];
	[sflag:s4] =	ssyncset.done $0x0  }
0x95: {  	s17 =	sld [smem:$0x13];
	[sflag:s4] =	ssyncadd.s32 $0xFFFFFFFF  }
0x96: {  	s18 =	sld [smem:$0x14];
	(tm) =	ssettm $0x1  }
0x97: {  	s6 =	sld [smem:$0x3FFB];
	_ =	sdelay $0x3  }
0x98: {  	_ =	strace s6  }
0x99: {  	s6 =	sld [smem:$0x3FFC];
	_ =	sdelay $0x3  }
0x9a: {  	_ =	strace s6  }
0x9b: {  	s6 =	sld [smem:$0x3FFD];
	_ =	sdelay $0x3  }
0x9c: {  	_ =	strace s6  }
0x9d: {  	_ =	strace $0x8FFFFFFF  }
0x9e: {  	s19 =	sld [smem:$0x3FDB];
	_ =	sdelay $0x1  }
0x9f: {  	s7 =	simm.s32 $_scs_section_size  }
0xa0: {  	s8 =	simm.s32 $_size__tile_overlayer_lowered;
	s9 =	simm.s32 $_tile_overlayer_lowered  }
0xa1: {  	s22 =	simm.s32 $0x1BFF;
	s21 =	sshll.u32 s9, $0x1;
	s6 =	sadd.s32 s7, s19  }
0xa2: {  	s10 =	simm.s32 $0x0;
	s20 =	sshll.u32 s8, $0x1;
	s8 =	sadd.s32 s21, s6  }
0xa3: {  	[timem:s10], [sflag:s22] =	dma.local [hbm:s8], s20  }
0xa4: {  	_ =	swait.ge [sflag:s22], s20  }
0xa5: {  	s7 =	ssub.s32 $0x0, s20;
	[sflag:s22] =	ssyncset.done $0x0  }
0xa6: {  	[sflag:s22] =	ssyncadd.s32 s7;
	_ =	sdelay $0x1  }
0xa7: {  	s23 =	simm.s32 $0x1B8B  }
0xa8: {  	_ =	swait.ge [sflag:s23], $0x1  }
0xa9: {  	[sflag:s23] =	ssyncset.done $0x0  }
0xaa: {  	s25 =	simm.s32 $0x1B8E;
	s24 =	sld [smem:$0x3FFE];
	[sflag:s23] =	ssyncadd.s32 $0xFFFFFFFF  }
0xab: {  	s26 =	simm.s32 $execute0_lowered;
	[smem:$0x3FD2] =	sst s25  }
0xac: {  	s8 =	sshll.u32 s26, $0x1;
	_ =	strace $0x80000046;
	[dreg:$0x1] =	wrdreg $0xFFFFFFFF  }
0xad: {  	s28 =	simm.s32 $_size_execute0_lowered;
	s6 =	sadd.s32 s6, s8;
	[dreg:$0x0] =	wrdreg $0x0  }
0xae: {  	s8 =	sshll.u32 s28, $0x1;
	[dreg:$0x2] =	wrdreg s6  }
0xaf: {  	[dreg:$0x3] =	wrdreg s8  }
0xb0: {  	[dreg:$0x4] =	wrdreg $0xC0  }
0xb1: {  	_ =	task [dreg:s10], $0x5FFFF  }
0xb2: {  	[dreg:$0x1] =	wrdreg $0xFFFFFFFF  }
0xb3: {  	[dreg:$0x0] =	wrdreg $0x60  }
0xb4: {  	[dreg:$0x2] =	wrdreg s24  }
0xb5: {  	[dreg:$0x3] =	wrdreg s17  }
0xb6: {  	[dreg:$0x4] =	wrdreg s18  }
0xb7: {  	[dreg:$0x5] =	wrdreg s16  }
0xb8: {  	[dreg:$0x6] =	wrdreg s15  }
0xb9: {  	[dreg:$0x7] =	wrdreg $0x9  }
0xba: {  	_ =	task.clear_ibuf [dreg:s10], $0x8FFFF;
	_ =	strace $0x90000046  }
0xbb: {  	s29 =	simm.s32 $0x9;
	_ =	strace $0x80000048  }
0xbc: {  	_ =	swait.ge [sflag:s29], $0x1  }
0xbd: {  	[sflag:s29] =	ssyncadd.s32 $0xFFFFFFFF  }
0xbe: {  	_ =	strace $0x90000048  }
0xbf: {  	_ =	sfence  }
0xc0: {  	s30 =	sld [smem:$0x0];
	_ =	sdelay $0x2  }
0xc1: {  	s31 =	sshll.u32 s1, $0xD;
	s1 =	sshrl.u32 s1, $0x2  }
0xc2: {  	s3 =	sand.u32 $0x4000, s31;
	s1 =	sadd.s32 s1, s30  }
0xc3: {  	s0 =	sor.u32 s3, s0;
	s1 =	sshll.u32 s1, $0x11  }
0xc4: {  	s0 =	sor.u32 s1, s0  }
0xc5: {  	s0 =	sadd.s32 $0x8F2B, s0  }
0xc6: {  	[sflag:s0] =	ssyncadd.remote.s32 $0x1  }
0xc7: {  	_ =	sfence.sel $0xFFFF  }
0xc8: {  	[dreg:$0x0] =	wrdreg $0xFFFFFFFF;
	(pc) =	sbr.abs _section_cstart, $3  }
0xc9: {  	[dreg:$0x1] =	wrdreg $0xFFFFFFFF  }
0xca: {  	_ =	task.clear_ibuf [dreg:s10], $0x2FFFF;
	_ =	strace $0x9FFFFFFF  }
0xcb: {  	(tm) =	ssettm $0x7FFFFFFF  }
tec
execute0_lowered:
.L_overlay_start_1:
0x0: {  	(tag) =	ssettag $0x1  }
0x1: {  	s0 =	rddreg [dreg:$0x0]  }
0x2: {  	s1 =	rddreg [dreg:$0x2]  }
0x3: {  	s2 =	rddreg [dreg:$0x3]  }
0x4: {  	s3 =	srdreg.scid;
	s6 =	stileid.u32;
	s4 =	simm.s32 $0x0  }
0x5: {  	s15 =	simm.s32 $0x3;
	s16 =	simm.s32 $0x1AA80;
	s17 =	simm.s32 $0x1B280  }
0x6: {  	s18 =	simm.s32 $0x1BA80;
	s19 =	simm.s32 $0x1C280;
	s20 =	simm.s32 $0x1CC80  }
0x7: {  	s21 =	simm.s32 $0x1;
	s22 =	simm.s32 $0x2;
	s23 =	simm.s32 $0x1CA80  }
0x8: {  	s3 =	sand.u32 $0x1, s3;
	s5 =	sshll.u32 s6, $0x1;
	[smem:$0x7FF] =	sst s4  }
0x9: {  	s6 =	sshrl.u32 s6, $0x2;
	s8 =	sor.u32 s3, s5;
	_ =	strace $0x80000047  }
0xa: {  	s5 =	sadd.s32 $0x51000, s0;
	s7 =	smul.u32 $0xC00, s6;
	s3 =	ssub.s32 $0x2, s3  }
0xb: {  	s6 =	sadd.s32 $0x1000, s0;
	s9 =	smul.u32 $0x300, s8;
	s24 =	sshll.u32 s8, $0x7  }
0xc: {  	s12 =	sshrl.u32 s3, $0x1;
	s8 =	smul.u32 $0x140, s8;
	s11 =	sand.u32 $0x380, s24  }
0xd: {  	s25 =	ssub.s32 s3, s12;
	s3 =	simm.s32 $0x1A280;
	s12 =	simm.s32 $0x0  }
0xe: {  	s10 =	sadd.s32 s9, s0;
	s11 =	sor.u32 s7, s11;
	s29 =	sadd.s32 s2, s9  }
0xf: {  	s7 =	sadd.s32 $0xB3000, s0;
	s0 =	smax.u32 s25, $0x1;
	[dreg:$0x8] =	wrdreg s29  }
0x10: {  	s2 =	simm.s32 $0x19280;
	s28 =	sadd.s32 $0xAD000, s10;
	[dreg:$0xb] =	wrdreg s0  }
0x11: {  	s9 =	simm.s32 $0x1CB80;
	s30 =	sadd.s32 $0xA7000, s10;
	[dreg:$0x7] =	wrdreg s28  }
0x12: {  	v2 =	vlaneseq.u32;
	s26 =	sshrl.u32 s11, $0x3;
	s31 =	sadd.s32 $0xA1000, s10;
	[dreg:$0x9] =	wrdreg s30  }
0x13: {  	vm0 =	vmmov $0xffff;
	v1 =	vshrl.u32 v2, $0x3;
	s0 =	simm.s32 $0x18A80;
	s1 =	sadd.s32 s1, s26;
	[dreg:$0xa] =	wrdreg s31  }
0x14: {  	v0 =	vand.u32 $0x7, v2;
	v2 =	vor.u32 $0x8, v2;
	v1 =	vmul.u32 $0x8, v1;
	s10 =	simm.s32 $0x1DC80;
	[dreg:$0x6] =	wrdreg s1;
	s1 =	simm.s32 $0x19A80  }
.LBB2_1:
0x15: {  	[dreg:$0xc] =	wrdreg s12  }
0x16: {  	s11 =	rddreg [dreg:$0x1]  }
0x17: {  	[tilespmem:s4], [sflag:$0x3] =	stream.linear.gather [hbm4b:s11+s4], $0x2800, $0x38;
	[tilespmem:$0x1EC80] =	vst v63  }
0x18: {  	_ =	swait.ge [sflag:s15], $0x2800  }
0x19: {  	s31 =	simm.s32 $0x80;
	s13 =	simm.s32 $0x400;
	[sflag:s15] =	ssyncset.done $0x0  }
0x1a: {  	s14 =	simm.s32 $0x2800;
	s30 =	rddreg [dreg:$0x6];
	[sflag:s15] =	ssyncadd.s32 $0xFFFFD800  }
0x1b: {  	[tilespmem:s14], [sflag:$0x3] =	stream.strided.gather [hbm4b:s30+s31], $0x180, s13, s31, $0x38;
	[tilespmem:$0x1EC80] =	vst v63  }
0x1c: {  	_ =	swait.ge [sflag:s15], $0x180  }
0x1d: {  	[sflag:s15] =	ssyncset.done $0x0  }
0x1e: {  	s13 =	simm.s32 $0x2980;
	s12 =	rddreg [dreg:$0x7];
	[sflag:s15] =	ssyncadd.s32 $0xFFFFFE80  }
0x1f: {  	[tilespmem:s13], [sflag:$0x3] =	stream.linear.gather [hbm4b:s12+s4], $0x1800, $0x38;
	[tilespmem:$0x1EC80] =	vst v63  }
0x20: {  	_ =	swait.ge [sflag:s15], $0x1800  }
0x21: {  	[sflag:s15] =	ssyncset.done $0x0  }
0x22: {  	s24 =	simm.s32 $0x4180;
	s14 =	rddreg [dreg:$0x8];
	[sflag:s15] =	ssyncadd.s32 $0xFFFFE800  }
0x23: {  	[tilespmem:s24], [sflag:$0x3] =	stream.linear.gather [hbm4b:s14+s4], $0x1800, $0x38;
	[tilespmem:$0x1EC80] =	vst v63  }
0x24: {  	_ =	swait.ge [sflag:s15], $0x1800  }
0x25: {  	[sflag:s15] =	ssyncset.done $0x0  }
0x26: {  	s26 =	simm.s32 $0x5980;
	s25 =	rddreg [dreg:$0x9];
	[sflag:s15] =	ssyncadd.s32 $0xFFFFE800  }
0x27: {  	[tilespmem:s26], [sflag:$0x3] =	stream.linear.gather [hbm4b:s25+s4], $0x1800, $0x38;
	[tilespmem:$0x1EC80] =	vst v63  }
0x28: {  	_ =	swait.ge [sflag:s15], $0x1800  }
0x29: {  	[sflag:s15] =	ssyncset.done $0x0  }
0x2a: {  	s29 =	simm.s32 $0x7180;
	s28 =	rddreg [dreg:$0xa];
	[sflag:s15] =	ssyncadd.s32 $0xFFFFE800  }
0x2b: {  	[tilespmem:s29], [sflag:$0x3] =	stream.linear.gather [hbm4b:s28+s4], $0x1800, $0x38;
	[tilespmem:$0x1EC80] =	vst v63  }
0x2c: {  	_ =	swait.ge [sflag:s15], $0x1800  }
0x2d: {  	[sflag:s15] =	ssyncset.done $0x0  }
0x2e: {  	[sflag:s15] =	ssyncadd.s32 $0xFFFFE800  }
0x2f: {  	s31 =	simm.s32 $0x8980;
	s30 =	rddreg [dreg:$0x4]  }
0x30: {  	[tilespmem:s31], [sflag:$0x3] =	stream.linear.gather [hbm4b:s30+s4], $0x100, $0x38;
	[tilespmem:$0x1EC80] =	vst v63  }
0x31: {  	_ =	swait.ge [sflag:s15], $0x100  }
0x32: {  	[sflag:s15] =	ssyncset.done $0x0  }
0x33: {  	s11 =	simm.s32 $0x0;
	[sflag:s15] =	ssyncadd.s32 $0xFFFFFF00  }
.LBB2_2:
0x34: {  	s26 =	sshll.u32 s11, $0x4;
	s13 =	sshll.u32 s11, $0x7  }
0x35: {  	s12 =	sand.u32 $0x70, s26;
	s24 =	sand.u32 $0xC00, s13  }
0x36: {  	s14 =	sor.u32 s12, s24  }
0x37: {  	v3 =	vld [tilespmem:s14+$0x2980];
	_ =	sdelay $0x4  }
0x38: {  	v4 =	vshll.u32 v3, $0x1  }
0x39: {  	v3 =	vand.u32 $0x7, v3;
	v4 =	vand.u32 $0xFFFFFFF0, v4  }
0x3a: {  	v3 =	vor.u32 v3, v4  }
0x3b: {  	v4 =	vperm.xlane v3, v0;
	_ =	sdelay $0x1  }
0x3c: {  	v3 =	vperm.xlane v3, v2;
	v4 =	vadd.s32 v1, v4;
	_ =	sdelay $0x1  }
0x3d: {  	v3 =	vadd.s32 v1, v3;
	_ =	sdelay $0x1  }
0x3e: {  	s25 =	simm.s32 $0x8A80;
	s12 =	simm.s32 $0x0  }
0x3f: {  	[tilespmem:s25], [sflag:$0x1] =	stream.indirect_vreg.gather [hbm4b:s5+s12], $0x80, v4, vm0, $0xb8;
	[tilespmem:$0x1EC80] =	vst v63  }
0x40: {  	s28 =	simm.s32 $0x9280  }
0x41: {  	[tilespmem:s28], [sflag:$0x1] =	stream.indirect_vreg.gather [hbm4b:s5+s12], $0x80, v3, vm0, $0xb8;
	[tilespmem:$0x1EC80] =	vst v63  }
0x42: {  	v3 =	vld [tilespmem:s14+$0x2A00];
	_ =	sdelay $0x4  }
0x43: {  	v43 =	vshll.u32 v3, $0x1  }
0x44: {  	v3 =	vand.u32 $0x7, v3;
	v4 =	vand.u32 $0xFFFFFFF0, v43  }
0x45: {  	v3 =	vor.u32 v3, v4  }
0x46: {  	v4 =	vperm.xlane v3, v0;
	_ =	sdelay $0x1  }
0x47: {  	v3 =	vperm.xlane v3, v2;
	v4 =	vadd.s32 v1, v4;
	_ =	sdelay $0x1  }
0x48: {  	v3 =	vadd.s32 v1, v3;
	_ =	sdelay $0x1  }
0x49: {  	s29 =	simm.s32 $0x9A80  }
0x4a: {  	[tilespmem:s29], [sflag:$0x1] =	stream.indirect_vreg.gather [hbm4b:s5+s12], $0x80, v4, vm0, $0xb8;
	[tilespmem:$0x1EC80] =	vst v63  }
0x4b: {  	s30 =	simm.s32 $0xA280  }
0x4c: {  	[tilespmem:s30], [sflag:$0x1] =	stream.indirect_vreg.gather [hbm4b:s5+s12], $0x80, v3, vm0, $0xb8;
	[tilespmem:$0x1EC80] =	vst v63  }
0x4d: {  	v3 =	vld [tilespmem:s14+$0x2A80];
	_ =	sdelay $0x4  }
0x4e: {  	v44 =	vshll.u32 v3, $0x1  }
0x4f: {  	v3 =	vand.u32 $0x7, v3;
	v4 =	vand.u32 $0xFFFFFFF0, v44  }
0x50: {  	v3 =	vor.u32 v3, v4  }
0x51: {  	v4 =	vperm.xlane v3, v0;
	_ =	sdelay $0x1  }
0x52: {  	v3 =	vperm.xlane v3, v2;
	v4 =	vadd.s32 v1, v4;
	_ =	sdelay $0x1  }
0x53: {  	v3 =	vadd.s32 v1, v3;
	_ =	sdelay $0x1  }
0x54: {  	s31 =	simm.s32 $0xAA80;
	s24 =	sor.u32 s24, s26  }
0x55: {  	[tilespmem:s31], [sflag:$0x1] =	stream.indirect_vreg.gather [hbm4b:s5+s12], $0x80, v4, vm0, $0xb8;
	[tilespmem:$0x1EC80] =	vst v63  }
0x56: {  	s24 =	sor.u32 $0x180, s24;
	s28 =	simm.s32 $0xB280  }
0x57: {  	[tilespmem:s28], [sflag:$0x1] =	stream.indirect_vreg.gather [hbm4b:s5+s12], $0x80, v3, vm0, $0xb8;
	[tilespmem:$0x1EC80] =	vst v63  }
0x58: {  	v3 =	vld [tilespmem:s24+$0x2980];
	_ =	sdelay $0x4  }
0x59: {  	v45 =	vshll.u32 v3, $0x1  }
0x5a: {  	v3 =	vand.u32 $0x7, v3;
	v4 =	vand.u32 $0xFFFFFFF0, v45  }
0x5b: {  	v3 =	vor.u32 v3, v4  }
0x5c: {  	v4 =	vperm.xlane v3, v0;
	_ =	sdelay $0x1  }
0x5d: {  	v3 =	vperm.xlane v3, v2;
	v4 =	vadd.s32 v1, v4;
	_ =	sdelay $0x1  }
0x5e: {  	v3 =	vadd.s32 v1, v3;
	_ =	sdelay $0x1  }
0x5f: {  	s29 =	simm.s32 $0xBA80  }
0x60: {  	[tilespmem:s29], [sflag:$0x1] =	stream.indirect_vreg.gather [hbm4b:s5+s12], $0x80, v4, vm0, $0xb8;
	[tilespmem:$0x1EC80] =	vst v63  }
0x61: {  	s30 =	simm.s32 $0xC280  }
0x62: {  	[tilespmem:s30], [sflag:$0x1] =	stream.indirect_vreg.gather [hbm4b:s5+s12], $0x80, v3, vm0, $0xb8;
	[tilespmem:$0x1EC80] =	vst v63  }
0x63: {  	v3 =	vld [tilespmem:s14+$0x2B80];
	_ =	sdelay $0x4  }
0x64: {  	v46 =	vshll.u32 v3, $0x1  }
0x65: {  	v3 =	vand.u32 $0x7, v3;
	v4 =	vand.u32 $0xFFFFFFF0, v46  }
0x66: {  	v3 =	vor.u32 v3, v4  }
0x67: {  	v4 =	vperm.xlane v3, v0;
	_ =	sdelay $0x1  }
0x68: {  	v3 =	vperm.xlane v3, v2;
	v4 =	vadd.s32 v1, v4;
	_ =	sdelay $0x1  }
0x69: {  	v3 =	vadd.s32 v1, v3;
	_ =	sdelay $0x1  }
0x6a: {  	s31 =	simm.s32 $0xCA80  }
0x6b: {  	[tilespmem:s31], [sflag:$0x1] =	stream.indirect_vreg.gather [hbm4b:s5+s12], $0x80, v4, vm0, $0xb8;
	[tilespmem:$0x1EC80] =	vst v63  }
0x6c: {  	s28 =	simm.s32 $0xD280  }
0x6d: {  	[tilespmem:s28], [sflag:$0x1] =	stream.indirect_vreg.gather [hbm4b:s5+s12], $0x80, v3, vm0, $0xb8;
	[tilespmem:$0x1EC80] =	vst v63  }
0x6e: {  	v3 =	vld [tilespmem:s14+$0x2C00];
	_ =	sdelay $0x4  }
0x6f: {  	v47 =	vshll.u32 v3, $0x1  }
0x70: {  	v3 =	vand.u32 $0x7, v3;
	v4 =	vand.u32 $0xFFFFFFF0, v47  }
0x71: {  	v3 =	vor.u32 v3, v4  }
0x72: {  	v4 =	vperm.xlane v3, v0;
	_ =	sdelay $0x1  }
0x73: {  	v3 =	vperm.xlane v3, v2;
	v4 =	vadd.s32 v1, v4;
	_ =	sdelay $0x1  }
0x74: {  	v3 =	vadd.s32 v1, v3;
	_ =	sdelay $0x1  }
0x75: {  	s29 =	simm.s32 $0xDA80  }
0x76: {  	[tilespmem:s29], [sflag:$0x1] =	stream.indirect_vreg.gather [hbm4b:s5+s12], $0x80, v4, vm0, $0xb8;
	[tilespmem:$0x1EC80] =	vst v63  }
0x77: {  	s30 =	simm.s32 $0xE280  }
0x78: {  	[tilespmem:s30], [sflag:$0x1] =	stream.indirect_vreg.gather [hbm4b:s5+s12], $0x80, v3, vm0, $0xb8;
	[tilespmem:$0x1EC80] =	vst v63  }
0x79: {  	v3 =	vld [tilespmem:s14+$0x2C80];
	_ =	sdelay $0x4  }
0x7a: {  	v48 =	vshll.u32 v3, $0x1  }
0x7b: {  	v3 =	vand.u32 $0x7, v3;
	v4 =	vand.u32 $0xFFFFFFF0, v48  }
0x7c: {  	v3 =	vor.u32 v3, v4  }
0x7d: {  	v4 =	vperm.xlane v3, v0;
	_ =	sdelay $0x1  }
0x7e: {  	v3 =	vperm.xlane v3, v2;
	v4 =	vadd.s32 v1, v4;
	_ =	sdelay $0x1  }
0x7f: {  	v3 =	vadd.s32 v1, v3;
	_ =	sdelay $0x1  }
0x80: {  	s13 =	sor.u32 s13, s26;
	s31 =	simm.s32 $0xEA80  }
0x81: {  	[tilespmem:s31], [sflag:$0x1] =	stream.indirect_vreg.gather [hbm4b:s5+s12], $0x80, v4, vm0, $0xb8;
	[tilespmem:$0x1EC80] =	vst v63  }
0x82: {  	s25 =	sor.u32 $0x380, s13;
	s28 =	simm.s32 $0xF280  }
0x83: {  	[tilespmem:s28], [sflag:$0x1] =	stream.indirect_vreg.gather [hbm4b:s5+s12], $0x80, v3, vm0, $0xb8;
	[tilespmem:$0x1EC80] =	vst v63  }
0x84: {  	v3 =	vld [tilespmem:s25+$0x2980];
	_ =	sdelay $0x4  }
0x85: {  	v49 =	vshll.u32 v3, $0x1  }
0x86: {  	v3 =	vand.u32 $0x7, v3;
	v4 =	vand.u32 $0xFFFFFFF0, v49  }
0x87: {  	v3 =	vor.u32 v3, v4  }
0x88: {  	v4 =	vperm.xlane v3, v0;
	_ =	sdelay $0x1  }
0x89: {  	v3 =	vperm.xlane v3, v2;
	v4 =	vadd.s32 v1, v4;
	_ =	sdelay $0x1  }
0x8a: {  	v3 =	vadd.s32 v1, v3;
	_ =	sdelay $0x1  }
0x8b: {  	s29 =	simm.s32 $0xFA80  }
0x8c: {  	[tilespmem:s29], [sflag:$0x1] =	stream.indirect_vreg.gather [hbm4b:s5+s12], $0x80, v4, vm0, $0xb8;
	[tilespmem:$0x1EC80] =	vst v63  }
0x8d: {  	s30 =	simm.s32 $0x10280  }
0x8e: {  	[tilespmem:s30], [sflag:$0x1] =	stream.indirect_vreg.gather [hbm4b:s5+s12], $0x80, v3, vm0, $0xb8;
	[tilespmem:$0x1EC80] =	vst v63  }
0x8f: {  	v3 =	vld [tilespmem:s14+$0x3580];
	_ =	sdelay $0x4  }
0x90: {  	v50 =	vshll.u32 v3, $0x1  }
0x91: {  	v3 =	vand.u32 $0x7, v3;
	v4 =	vand.u32 $0xFFFFFFF0, v50  }
0x92: {  	v3 =	vor.u32 v3, v4  }
0x93: {  	v4 =	vperm.xlane v3, v0;
	_ =	sdelay $0x1  }
0x94: {  	v3 =	vperm.xlane v3, v2;
	v4 =	vadd.s32 v1, v4;
	_ =	sdelay $0x1  }
0x95: {  	v3 =	vadd.s32 v1, v3;
	_ =	sdelay $0x1  }
0x96: {  	s31 =	simm.s32 $0x10A80  }
0x97: {  	[tilespmem:s31], [sflag:$0x1] =	stream.indirect_vreg.gather [hbm4b:s5+s12], $0x80, v4, vm0, $0xb8;
	[tilespmem:$0x1EC80] =	vst v63  }
0x98: {  	s28 =	simm.s32 $0x11280  }
0x99: {  	[tilespmem:s28], [sflag:$0x1] =	stream.indirect_vreg.gather [hbm4b:s5+s12], $0x80, v3, vm0, $0xb8;
	[tilespmem:$0x1EC80] =	vst v63  }
0x9a: {  	v3 =	vld [tilespmem:s14+$0x3600];
	_ =	sdelay $0x4  }
0x9b: {  	v51 =	vshll.u32 v3, $0x1  }
0x9c: {  	v3 =	vand.u32 $0x7, v3;
	v4 =	vand.u32 $0xFFFFFFF0, v51  }
0x9d: {  	v3 =	vor.u32 v3, v4  }
0x9e: {  	v4 =	vperm.xlane v3, v0;
	_ =	sdelay $0x1  }
0x9f: {  	v3 =	vperm.xlane v3, v2;
	v4 =	vadd.s32 v1, v4;
	_ =	sdelay $0x1  }
0xa0: {  	v3 =	vadd.s32 v1, v3;
	_ =	sdelay $0x1  }
0xa1: {  	s29 =	simm.s32 $0x11A80  }
0xa2: {  	[tilespmem:s29], [sflag:$0x1] =	stream.indirect_vreg.gather [hbm4b:s5+s12], $0x80, v4, vm0, $0xb8;
	[tilespmem:$0x1EC80] =	vst v63  }
0xa3: {  	s30 =	simm.s32 $0x12280  }
0xa4: {  	[tilespmem:s30], [sflag:$0x1] =	stream.indirect_vreg.gather [hbm4b:s5+s12], $0x80, v3, vm0, $0xb8;
	[tilespmem:$0x1EC80] =	vst v63  }
0xa5: {  	v3 =	vld [tilespmem:s14+$0x4180];
	_ =	sdelay $0x4  }
0xa6: {  	v52 =	vshll.u32 v3, $0x1  }
0xa7: {  	v3 =	vand.u32 $0x7, v3;
	v4 =	vand.u32 $0xFFFFFFF0, v52  }
0xa8: {  	v3 =	vor.u32 v3, v4  }
0xa9: {  	v4 =	vperm.xlane v3, v0;
	_ =	sdelay $0x1  }
0xaa: {  	v3 =	vperm.xlane v3, v2;
	v4 =	vadd.s32 v1, v4;
	_ =	sdelay $0x1  }
0xab: {  	v3 =	vadd.s32 v1, v3;
	_ =	sdelay $0x1  }
0xac: {  	s31 =	simm.s32 $0x12A80  }
0xad: {  	[tilespmem:s31], [sflag:$0x1] =	stream.indirect_vreg.gather [hbm4b:s5+s12], $0x80, v4, vm0, $0xb8;
	[tilespmem:$0x1EC80] =	vst v63  }
0xae: {  	s28 =	simm.s32 $0x13280  }
0xaf: {  	[tilespmem:s28], [sflag:$0x1] =	stream.indirect_vreg.gather [hbm4b:s5+s12], $0x80, v3, vm0, $0xb8;
	[tilespmem:$0x1EC80] =	vst v63  }
0xb0: {  	v3 =	vld [tilespmem:s14+$0x4200];
	_ =	sdelay $0x4  }
0xb1: {  	v53 =	vshll.u32 v3, $0x1  }
0xb2: {  	v3 =	vand.u32 $0x7, v3;
	v4 =	vand.u32 $0xFFFFFFF0, v53  }
0xb3: {  	v3 =	vor.u32 v3, v4  }
0xb4: {  	v4 =	vperm.xlane v3, v0;
	_ =	sdelay $0x1  }
0xb5: {  	v3 =	vperm.xlane v3, v2;
	v4 =	vadd.s32 v1, v4;
	_ =	sdelay $0x1  }
0xb6: {  	v3 =	vadd.s32 v1, v3;
	_ =	sdelay $0x1  }
0xb7: {  	s29 =	simm.s32 $0x13A80  }
0xb8: {  	[tilespmem:s29], [sflag:$0x1] =	stream.indirect_vreg.gather [hbm4b:s5+s12], $0x80, v4, vm0, $0xb8;
	[tilespmem:$0x1EC80] =	vst v63  }
0xb9: {  	s30 =	simm.s32 $0x14280  }
0xba: {  	[tilespmem:s30], [sflag:$0x1] =	stream.indirect_vreg.gather [hbm4b:s5+s12], $0x80, v3, vm0, $0xb8;
	[tilespmem:$0x1EC80] =	vst v63  }
0xbb: {  	v3 =	vld [tilespmem:s14+$0x4280];
	_ =	sdelay $0x4  }
0xbc: {  	v54 =	vshll.u32 v3, $0x1  }
0xbd: {  	v3 =	vand.u32 $0x7, v3;
	v4 =	vand.u32 $0xFFFFFFF0, v54  }
0xbe: {  	v3 =	vor.u32 v3, v4  }
0xbf: {  	v4 =	vperm.xlane v3, v0;
	_ =	sdelay $0x1  }
0xc0: {  	v3 =	vperm.xlane v3, v2;
	v4 =	vadd.s32 v1, v4;
	_ =	sdelay $0x1  }
0xc1: {  	v3 =	vadd.s32 v1, v3;
	_ =	sdelay $0x1  }
0xc2: {  	s31 =	simm.s32 $0x14A80  }
0xc3: {  	[tilespmem:s31], [sflag:$0x1] =	stream.indirect_vreg.gather [hbm4b:s5+s12], $0x80, v4, vm0, $0xb8;
	[tilespmem:$0x1EC80] =	vst v63  }
0xc4: {  	s28 =	simm.s32 $0x15280  }
0xc5: {  	[tilespmem:s28], [sflag:$0x1] =	stream.indirect_vreg.gather [hbm4b:s5+s12], $0x80, v3, vm0, $0xb8;
	[tilespmem:$0x1EC80] =	vst v63  }
0xc6: {  	v3 =	vld [tilespmem:s24+$0x4180];
	_ =	sdelay $0x4  }
0xc7: {  	v55 =	vshll.u32 v3, $0x1  }
0xc8: {  	v3 =	vand.u32 $0x7, v3;
	v4 =	vand.u32 $0xFFFFFFF0, v55  }
0xc9: {  	v3 =	vor.u32 v3, v4  }
0xca: {  	v4 =	vperm.xlane v3, v0;
	_ =	sdelay $0x1  }
0xcb: {  	v3 =	vperm.xlane v3, v2;
	v4 =	vadd.s32 v1, v4;
	_ =	sdelay $0x1  }
0xcc: {  	v3 =	vadd.s32 v1, v3;
	_ =	sdelay $0x1  }
0xcd: {  	s29 =	simm.s32 $0x15A80  }
0xce: {  	[tilespmem:s29], [sflag:$0x1] =	stream.indirect_vreg.gather [hbm4b:s5+s12], $0x80, v4, vm0, $0xb8;
	[tilespmem:$0x1EC80] =	vst v63  }
0xcf: {  	s30 =	simm.s32 $0x16280  }
0xd0: {  	[tilespmem:s30], [sflag:$0x1] =	stream.indirect_vreg.gather [hbm4b:s5+s12], $0x80, v3, vm0, $0xb8;
	[tilespmem:$0x1EC80] =	vst v63  }
0xd1: {  	v3 =	vld [tilespmem:s14+$0x4380];
	_ =	sdelay $0x4  }
0xd2: {  	v56 =	vshll.u32 v3, $0x1  }
0xd3: {  	v3 =	vand.u32 $0x7, v3;
	v4 =	vand.u32 $0xFFFFFFF0, v56  }
0xd4: {  	v3 =	vor.u32 v3, v4  }
0xd5: {  	v4 =	vperm.xlane v3, v0;
	_ =	sdelay $0x1  }
0xd6: {  	v3 =	vperm.xlane v3, v2;
	v4 =	vadd.s32 v1, v4;
	_ =	sdelay $0x1  }
0xd7: {  	v3 =	vadd.s32 v1, v3;
	_ =	sdelay $0x1  }
0xd8: {  	s31 =	simm.s32 $0x16A80  }
0xd9: {  	[tilespmem:s31], [sflag:$0x1] =	stream.indirect_vreg.gather [hbm4b:s5+s12], $0x80, v4, vm0, $0xb8;
	[tilespmem:$0x1EC80] =	vst v63  }
0xda: {  	s28 =	simm.s32 $0x17280  }
0xdb: {  	[tilespmem:s28], [sflag:$0x1] =	stream.indirect_vreg.gather [hbm4b:s5+s12], $0x80, v3, vm0, $0xb8;
	[tilespmem:$0x1EC80] =	vst v63  }
0xdc: {  	v3 =	vld [tilespmem:s14+$0x4400];
	_ =	sdelay $0x4  }
0xdd: {  	v57 =	vshll.u32 v3, $0x1  }
0xde: {  	v3 =	vand.u32 $0x7, v3;
	v4 =	vand.u32 $0xFFFFFFF0, v57  }
0xdf: {  	v3 =	vor.u32 v3, v4  }
0xe0: {  	v4 =	vperm.xlane v3, v0;
	_ =	sdelay $0x1  }
0xe1: {  	v3 =	vperm.xlane v3, v2;
	v4 =	vadd.s32 v1, v4;
	_ =	sdelay $0x1  }
0xe2: {  	v3 =	vadd.s32 v1, v3;
	_ =	sdelay $0x1  }
0xe3: {  	s29 =	simm.s32 $0x17A80  }
0xe4: {  	[tilespmem:s29], [sflag:$0x1] =	stream.indirect_vreg.gather [hbm4b:s5+s12], $0x80, v4, vm0, $0xb8;
	[tilespmem:$0x1EC80] =	vst v63  }
0xe5: {  	s30 =	simm.s32 $0x18280  }
0xe6: {  	[tilespmem:s30], [sflag:$0x1] =	stream.indirect_vreg.gather [hbm4b:s5+s12], $0x80, v3, vm0, $0xb8;
	[tilespmem:$0x1EC80] =	vst v63  }
0xe7: {  	v3 =	vld [tilespmem:s14+$0x4480];
	_ =	sdelay $0x4  }
0xe8: {  	v58 =	vshll.u32 v3, $0x1  }
0xe9: {  	v3 =	vand.u32 $0x7, v3;
	v4 =	vand.u32 $0xFFFFFFF0, v58  }
0xea: {  	v3 =	vor.u32 v3, v4  }
0xeb: {  	v4 =	vperm.xlane v3, v0;
	_ =	sdelay $0x1  }
0xec: {  	v3 =	vperm.xlane v3, v2;
	v4 =	vadd.s32 v1, v4;
	_ =	sdelay $0x1  }
0xed: {  	v3 =	vadd.s32 v1, v3;
	_ =	sdelay $0x2  }
0xee: {  	[tilespmem:s0], [sflag:$0x1] =	stream.indirect_vreg.gather [hbm4b:s5+s12], $0x80, v4, vm0, $0xb8;
	[tilespmem:$0x1EC80] =	vst v63  }
0xef: {  	_ = 	snop  }
0xf0: {  	[tilespmem:s2], [sflag:$0x1] =	stream.indirect_vreg.gather [hbm4b:s5+s12], $0x80, v3, vm0, $0xb8;
	[tilespmem:$0x1EC80] =	vst v63  }
0xf1: {  	v3 =	vld [tilespmem:s25+$0x4180];
	_ =	sdelay $0x4  }
0xf2: {  	v59 =	vshll.u32 v3, $0x1  }
0xf3: {  	v3 =	vand.u32 $0x7, v3;
	v4 =	vand.u32 $0xFFFFFFF0, v59  }
0xf4: {  	v3 =	vor.u32 v3, v4  }
0xf5: {  	v4 =	vperm.xlane v3, v0;
	_ =	sdelay $0x1  }
0xf6: {  	v3 =	vperm.xlane v3, v2;
	v4 =	vadd.s32 v1, v4;
	_ =	sdelay $0x1  }
0xf7: {  	v3 =	vadd.s32 v1, v3;
	_ =	sdelay $0x2  }
0xf8: {  	[tilespmem:s1], [sflag:$0x1] =	stream.indirect_vreg.gather [hbm4b:s5+s12], $0x80, v4, vm0, $0xb8;
	[tilespmem:$0x1EC80] =	vst v63  }
0xf9: {  	_ = 	snop  }
0xfa: {  	[tilespmem:s3], [sflag:$0x1] =	stream.indirect_vreg.gather [hbm4b:s5+s12], $0x80, v3, vm0, $0xb8;
	[tilespmem:$0x1EC80] =	vst v63  }
0xfb: {  	v3 =	vld [tilespmem:s14+$0x4D80];
	_ =	sdelay $0x4  }
0xfc: {  	v60 =	vshll.u32 v3, $0x1  }
0xfd: {  	v3 =	vand.u32 $0x7, v3;
	v4 =	vand.u32 $0xFFFFFFF0, v60  }
0xfe: {  	v3 =	vor.u32 v3, v4  }
0xff: {  	v4 =	vperm.xlane v3, v0;
	_ =	sdelay $0x1  }
0x100: {  	v3 =	vperm.xlane v3, v2;
	v4 =	vadd.s32 v1, v4;
	_ =	sdelay $0x1  }
0x101: {  	v3 =	vadd.s32 v1, v3;
	_ =	sdelay $0x2  }
0x102: {  	[tilespmem:s16], [sflag:$0x1] =	stream.indirect_vreg.gather [hbm4b:s5+s12], $0x80, v4, vm0, $0xb8;
	[tilespmem:$0x1EC80] =	vst v63  }
0x103: {  	_ = 	snop  }
0x104: {  	[tilespmem:s17], [sflag:$0x1] =	stream.indirect_vreg.gather [hbm4b:s5+s12], $0x80, v3, vm0, $0xb8;
	[tilespmem:$0x1EC80] =	vst v63  }
0x105: {  	v3 =	vld [tilespmem:s14+$0x4E00];
	_ =	sdelay $0x4  }
0x106: {  	v61 =	vshll.u32 v3, $0x1  }
0x107: {  	v3 =	vand.u32 $0x7, v3;
	v4 =	vand.u32 $0xFFFFFFF0, v61  }
0x108: {  	v3 =	vor.u32 v3, v4  }
0x109: {  	v4 =	vperm.xlane v3, v0;
	_ =	sdelay $0x1  }
0x10a: {  	v3 =	vperm.xlane v3, v2;
	v4 =	vadd.s32 v1, v4;
	_ =	sdelay $0x1  }
0x10b: {  	v3 =	vadd.s32 v1, v3;
	_ =	sdelay $0x1  }
0x10c: {  	s31 =	sadd.s32 s8, s26  }
0x10d: {  	[tilespmem:s18], [sflag:$0x1] =	stream.indirect_vreg.gather [hbm4b:s5+s12], $0x80, v4, vm0, $0xb8;
	[tilespmem:$0x1EC80] =	vst v63  }
0x10e: {  	s13 =	sshll.u32 s31, $0x5  }
0x10f: {  	[tilespmem:s19], [sflag:$0x1] =	stream.indirect_vreg.gather [hbm4b:s5+s12], $0x80, v3, vm0, $0xb8;
	[tilespmem:$0x1EC80] =	vst v63  }
0x110: {  	s28 =	sadd.s32 s6, s13  }
0x111: {  	[tilespmem:s20], [sflag:$0x2] =	stream.linear.gather [hbm4b:s28+s12], $0x1000, $0x38;
	[tilespmem:$0x1EC80] =	vst v63  }
0x112: {  	v4 =	vld [tilespmem:s14+$0x2980]  }
0x113: {  	v5 =	vld [tilespmem:s14+$0x2A00]  }
0x114: {  	v6 =	vld [tilespmem:s14+$0x2A80]  }
0x115: {  	v3 =	vld [tilespmem:s26+$0x2800]  }
0x116: {  	v7 =	vld [tilespmem:s24+$0x2980]  }
0x117: {  	v8 =	vld [tilespmem:s14+$0x5980]  }
0x118: {  	v9 =	vld [tilespmem:s14+$0x2B80]  }
0x119: {  	v10 =	vld [tilespmem:s14+$0x5A00]  }
0x11a: {  	v11 =	vld [tilespmem:s14+$0x5A80]  }
0x11b: {  	v12 =	vld [tilespmem:s14+$0x2C00]  }
0x11c: {  	v13 =	vld [tilespmem:s24+$0x5980]  }
0x11d: {  	v14 =	vld [tilespmem:s14+$0x2C80]  }
0x11e: {  	v15 =	vld [tilespmem:s25+$0x2980]  }
0x11f: {  	v16 =	vld [tilespmem:s14+$0x5B80]  }
0x120: {  	v17 =	vld [tilespmem:s14+$0x3580]  }
0x121: {  	v18 =	vld [tilespmem:s14+$0x3600]  }
0x122: {  	v19 =	vld [tilespmem:s14+$0x5C00]  }
0x123: {  	v20 =	vld [tilespmem:s14+$0x5C80]  }
0x124: {  	v21 =	vld [tilespmem:s25+$0x5980]  }
0x125: {  	v4 =	vld.idx.msk [tilespmem:v4+s12+$0x0], $0xffff  }
0x126: {  	v5 =	vld.idx.msk [tilespmem:v5+s12+$0x0], $0xffff  }
0x127: {  	v6 =	vld.idx.msk [tilespmem:v6+s12+$0x0], $0xffff  }
0x128: {  	v7 =	vld.idx.msk [tilespmem:v7+s12+$0x0], $0xffff  }
0x129: {  	v9 =	vld.idx.msk [tilespmem:v9+s12+$0x0], $0xffff  }
0x12a: {  	v12 =	vld.idx.msk [tilespmem:v12+s12+$0x0], $0xffff  }
0x12b: {  	v14 =	vld.idx.msk [tilespmem:v14+s12+$0x0], $0xffff;
	v4 =	vadd.f32 v4, v3;
	v5 =	vadd.f32 v5, v3  }
0x12c: {  	v15 =	vld.idx.msk [tilespmem:v15+s12+$0x0], $0xffff;
	v6 =	vadd.f32 v6, v3  }
0x12d: {  	v62 =	vld.idx.msk [tilespmem:v17+s12+$0x0], $0xffff;
	v7 =	vadd.f32 v7, v3;
	v4 =	vmul.f32 v8, v4;
	v5 =	vmul.f32 v10, v5  }
0x12e: {  	v63 =	vld.idx.msk [tilespmem:v18+s12+$0x0], $0xffff;
	v9 =	vadd.f32 v9, v3;
	v6 =	vmul.f32 v11, v6  }
0x12f: {  	v23 =	vld [tilespmem:s14+$0x6580];
	v12 =	vadd.f32 v12, v3;
	v7 =	vmul.f32 v13, v7;
	v22 =	vmax.f32 v4, v5  }
0x130: {  	v24 =	vld [tilespmem:s14+$0x6600];
	v14 =	vadd.f32 v14, v3;
	v9 =	vmul.f32 v16, v9;
	v11 =	vmax.f32 v22, v6  }
0x131: {  	v15 =	vadd.f32 v15, v3;
	v12 =	vmul.f32 v19, v12;
	v11 =	vmax.f32 v11, v7  }
0x132: {  	v14 =	vmul.f32 v20, v14;
	v8 =	vadd.f32 v62, v3;
	v11 =	vmax.f32 v11, v9  }
0x133: {  	v15 =	vmul.f32 v21, v15;
	v10 =	vadd.f32 v63, v3;
	v11 =	vmax.f32 v11, v12  }
0x134: {  	v8 =	vmul.f32 v23, v8;
	v11 =	vmax.f32 v11, v14  }
0x135: {  	v10 =	vmul.f32 v24, v10;
	v11 =	vmax.f32 v11, v15  }
0x136: {  	v11 =	vmax.f32 v11, v8  }
0x137: {  	v11 =	vmax.f32 v11, v10  }
0x138: {  	v4 =	vsub.f32 v4, v11  }
0x139: {  	v5 =	vsub.f32 v5, v11  }
0x13a: {  	v4 =	vmul.f32 $1.442695020e+00, v4  }
0x13b: {  	v6 =	vsub.f32 v6, v11;
	v5 =	vmul.f32 $1.442695020e+00, v5  }
0x13c: {  	(erf) = vpow2.f32 v4  }
0x13d: {  	v26 =	vsub.f32 v7, v11;
	v25 =	vmul.f32 $1.442695020e+00, v6;
	(erf) = vpow2.f32 v5;
	_ =	sdelay $0x1  }
0x13e: {  	v28 =	vsub.f32 v9, v11;
	v27 =	vmul.f32 $1.442695020e+00, v26;
	(erf) = vpow2.f32 v25;
	_ =	sdelay $0x1  }
0x13f: {  	v30 =	vsub.f32 v12, v11;
	v29 =	vmul.f32 $1.442695020e+00, v28;
	(erf) = vpow2.f32 v27;
	_ =	sdelay $0x1  }
0x140: {  	v32 =	vsub.f32 v14, v11;
	v31 =	vmul.f32 $1.442695020e+00, v30;
	(erf) = vpow2.f32 v29;
	_ =	sdelay $0x1  }
0x141: {  	v36 =	vsub.f32 v15, v11;
	v35 =	vmul.f32 $1.442695020e+00, v32;
	v33 =	vpop (erf);
	(erf) = vpow2.f32 v31  }
0x142: {  	v40 =	vsub.f32 v8, v11;
	v34 =	vpop (erf)  }
0x143: {  	v39 =	vmul.f32 $1.442695020e+00, v36;
	(erf) = vpow2.f32 v35;
	v37 =	vadd.f32 v34, v33  }
0x144: {  	v43 =	vsub.f32 v10, v11;
	v38 =	vpop (erf)  }
0x145: {  	v42 =	vmul.f32 $1.442695020e+00, v40;
	(erf) = vpow2.f32 v39;
	v41 =	vadd.f32 v37, v38  }
0x146: {  	v44 =	vpop (erf)  }
0x147: {  	v45 =	vmul.f32 $1.442695020e+00, v43;
	(erf) = vpow2.f32 v42;
	v8 =	vadd.f32 v41, v44  }
0x148: {  	v46 =	vpop (erf)  }
0x149: {  	(erf) = vpow2.f32 v45;
	v8 =	vadd.f32 v8, v46  }
0x14a: {  	v47 =	vpop (erf)  }
0x14b: {  	v8 =	vadd.f32 v8, v47  }
0x14c: {  	v48 =	vpop (erf)  }
0x14d: {  	v8 =	vadd.f32 v8, v48  }
0x14e: {  	v49 =	vpop (erf)  }
0x14f: {  	v8 =	vadd.f32 v8, v49  }
0x150: {  	v50 =	vpop (erf)  }
0x151: {  	v8 =	vadd.f32 v8, v50  }
0x152: {  	v51 =	vpop (erf)  }
0x153: {  	v8 =	vadd.f32 v8, v51;
	_ =	sdelay $0x1  }
0x154: {  	v8 =	vmul.f32 $1.000000000e+01, v8;
	_ =	sdelay $0x1  }
0x155: {  	(erf) = vrcp.f32 v8;
	_ =	sdelay $0x8  }
0x156: {  	v8 =	vpop (erf)  }
0x157: {  	v6 =	vmul.f32 v8, v33  }
0x158: {  	v7 =	vmul.f32 v8, v34  }
0x159: {  	v52 =	vmul.f32 v8, v38;
	[tilespmem:$0x1CA80] =	vst v6  }
0x15a: {  	v53 =	vmul.f32 v8, v44;
	[tilespmem:$0x1CA90] =	vst v7  }
0x15b: {  	v5 =	vmul.f32 v8, v46;
	[tilespmem:$0x1CAA0] =	vst v52  }
0x15c: {  	v4 =	vmul.f32 v8, v47;
	[tilespmem:$0x1CAB0] =	vst v53  }
0x15d: {  	v54 =	vmul.f32 v8, v48;
	[tilespmem:$0x1CAC0] =	vst v5  }
0x15e: {  	v55 =	vmul.f32 v8, v49;
	[tilespmem:$0x1CAD0] =	vst v4  }
0x15f: {  	v56 =	vmul.f32 v8, v50;
	[tilespmem:$0x1CAE0] =	vst v54  }
0x160: {  	v57 =	vmul.f32 v8, v51;
	[tilespmem:$0x1CAF0] =	vst v55  }
0x161: {  	[tilespmem:$0x1CB00] =	vst v56  }
0x162: {  	[tilespmem:$0x1CB10] =	vst v57  }
0x163: {  	v4 =	vld [tilespmem:s14+$0x4180]  }
0x164: {  	v5 =	vld [tilespmem:s14+$0x4200]  }
0x165: {  	v6 =	vld [tilespmem:s24+$0x4180]  }
0x166: {  	v7 =	vld [tilespmem:s24+$0x7180]  }
0x167: {  	v58 =	vld [tilespmem:s14+$0x4280]  }
0x168: {  	v59 =	vld [tilespmem:s25+$0x4180]  }
0x169: {  	v60 =	vld [tilespmem:s25+$0x7180]  }
0x16a: {  	v61 =	vld [tilespmem:s14+$0x7180]  }
0x16b: {  	v62 =	vld [tilespmem:s14+$0x4380]  }
0x16c: {  	v63 =	vld [tilespmem:s14+$0x7200]  }
0x16d: {  	v23 =	vld [tilespmem:s14+$0x4400]  }
0x16e: {  	v24 =	vld [tilespmem:s14+$0x7280]  }
0x16f: {  	v25 =	vld [tilespmem:s14+$0x4480]  }
0x170: {  	v26 =	vld [tilespmem:s14+$0x4D80]  }
0x171: {  	v27 =	vld [tilespmem:s14+$0x4E00]  }
0x172: {  	v28 =	vld [tilespmem:s14+$0x7380]  }
0x173: {  	v29 =	vld [tilespmem:s14+$0x7400]  }
0x174: {  	v30 =	vld [tilespmem:s14+$0x7480]  }
0x175: {  	v4 =	vld.idx.msk [tilespmem:v4+s12+$0x0], $0xffff  }
0x176: {  	v5 =	vld.idx.msk [tilespmem:v5+s12+$0x0], $0xffff  }
0x177: {  	v8 =	vld.idx.msk [tilespmem:v58+s12+$0x0], $0xffff  }
0x178: {  	v6 =	vld.idx.msk [tilespmem:v6+s12+$0x0], $0xffff  }
0x179: {  	v12 =	vld.idx.msk [tilespmem:v62+s12+$0x0], $0xffff  }
0x17a: {  	v14 =	vld.idx.msk [tilespmem:v23+s12+$0x0], $0xffff  }
0x17b: {  	v16 =	vld.idx.msk [tilespmem:v25+s12+$0x0], $0xffff;
	v4 =	vadd.f32 v4, v3;
	v5 =	vadd.f32 v5, v3  }
0x17c: {  	v9 =	vld.idx.msk [tilespmem:v59+s12+$0x0], $0xffff;
	v8 =	vadd.f32 v8, v3  }
0x17d: {  	v31 =	vld.idx.msk [tilespmem:v26+s12+$0x0], $0xffff;
	v6 =	vadd.f32 v6, v3;
	v4 =	vmul.f32 v61, v4;
	v5 =	vmul.f32 v63, v5  }
0x17e: {  	v32 =	vld.idx.msk [tilespmem:v27+s12+$0x0], $0xffff;
	v12 =	vadd.f32 v12, v3;
	v8 =	vmul.f32 v24, v8  }
0x17f: {  	v35 =	vld [tilespmem:s14+$0x7D80];
	v34 =	vadd.f32 v14, v3;
	v6 =	vmul.f32 v7, v6;
	v33 =	vmax.f32 v4, v5  }
0x180: {  	v36 =	vld [tilespmem:s14+$0x7E00];
	v16 =	vadd.f32 v16, v3;
	v12 =	vmul.f32 v28, v12;
	v15 =	vmax.f32 v33, v8  }
0x181: {  	v9 =	vadd.f32 v9, v3;
	v7 =	vmul.f32 v29, v34;
	v15 =	vmax.f32 v15, v6  }
0x182: {  	v11 =	vadd.f32 v31, v3;
	v16 =	vmul.f32 v30, v16;
	v15 =	vmax.f32 v15, v12  }
0x183: {  	v3 =	vadd.f32 v32, v3;
	v9 =	vmul.f32 v60, v9;
	v37 =	vmax.f32 v15, v7  }
0x184: {  	v11 =	vmul.f32 v35, v11;
	v10 =	vmax.f32 v37, v16  }
0x185: {  	v3 =	vmul.f32 v36, v3;
	v10 =	vmax.f32 v10, v9  }
0x186: {  	v10 =	vmax.f32 v10, v11  }
0x187: {  	v10 =	vmax.f32 v10, v3  }
0x188: {  	v4 =	vsub.f32 v4, v10  }
0x189: {  	v5 =	vsub.f32 v5, v10  }
0x18a: {  	v4 =	vmul.f32 $1.442695020e+00, v4  }
0x18b: {  	v8 =	vsub.f32 v8, v10;
	v5 =	vmul.f32 $1.442695020e+00, v5  }
0x18c: {  	(erf) = vpow2.f32 v4  }
0x18d: {  	v39 =	vsub.f32 v6, v10;
	v38 =	vmul.f32 $1.442695020e+00, v8;
	(erf) = vpow2.f32 v5;
	_ =	sdelay $0x1  }
0x18e: {  	v41 =	vsub.f32 v12, v10;
	v40 =	vmul.f32 $1.442695020e+00, v39;
	(erf) = vpow2.f32 v38;
	_ =	sdelay $0x1  }
0x18f: {  	v43 =	vsub.f32 v7, v10;
	v42 =	vmul.f32 $1.442695020e+00, v41;
	(erf) = vpow2.f32 v40;
	_ =	sdelay $0x1  }
0x190: {  	v45 =	vsub.f32 v16, v10;
	v44 =	vmul.f32 $1.442695020e+00, v43;
	(erf) = vpow2.f32 v42;
	_ =	sdelay $0x1  }
0x191: {  	v49 =	vsub.f32 v9, v10;
	v48 =	vmul.f32 $1.442695020e+00, v45;
	v46 =	vpop (erf);
	(erf) = vpow2.f32 v44  }
0x192: {  	v53 =	vsub.f32 v11, v10;
	v47 =	vpop (erf)  }
0x193: {  	v52 =	vmul.f32 $1.442695020e+00, v49;
	(erf) = vpow2.f32 v48;
	v50 =	vadd.f32 v47, v46  }
0x194: {  	v3 =	vsub.f32 v3, v10;
	v51 =	vpop (erf)  }
0x195: {  	v54 =	vmul.f32 $1.442695020e+00, v53;
	(erf) = vpow2.f32 v52;
	v8 =	vadd.f32 v50, v51  }
0x196: {  	v3 =	vmul.f32 $1.442695020e+00, v3;
	v55 =	vpop (erf)  }
0x197: {  	(erf) = vpow2.f32 v54;
	v8 =	vadd.f32 v8, v55  }
0x198: {  	v56 =	vpop (erf)  }
0x199: {  	(erf) = vpow2.f32 v3;
	v8 =	vadd.f32 v8, v56  }
0x19a: {  	v3 =	vpop (erf)  }
0x19b: {  	v8 =	vadd.f32 v8, v3  }
0x19c: {  	v57 =	vpop (erf)  }
0x19d: {  	v8 =	vadd.f32 v8, v57  }
0x19e: {  	v58 =	vpop (erf)  }
0x19f: {  	v8 =	vadd.f32 v8, v58  }
0x1a0: {  	v59 =	vpop (erf)  }
0x1a1: {  	v8 =	vadd.f32 v8, v59  }
0x1a2: {  	v60 =	vpop (erf)  }
0x1a3: {  	v8 =	vadd.f32 v8, v60;
	_ =	sdelay $0x1  }
0x1a4: {  	v8 =	vmul.f32 $1.000000000e+01, v8;
	_ =	sdelay $0x1  }
0x1a5: {  	(erf) = vrcp.f32 v8;
	_ =	sdelay $0x8  }
0x1a6: {  	v8 =	vpop (erf)  }
0x1a7: {  	v6 =	vmul.f32 v8, v46  }
0x1a8: {  	v7 =	vmul.f32 v8, v47  }
0x1a9: {  	v61 =	vmul.f32 v8, v51;
	[tilespmem:$0x1CB80] =	vst v6  }
0x1aa: {  	v5 =	vmul.f32 v8, v55;
	[tilespmem:$0x1CB90] =	vst v7  }
0x1ab: {  	v4 =	vmul.f32 v8, v56;
	[tilespmem:$0x1CBA0] =	vst v61  }
0x1ac: {  	v3 =	vmul.f32 v8, v3;
	[tilespmem:$0x1CBB0] =	vst v5  }
0x1ad: {  	v62 =	vmul.f32 v8, v57;
	[tilespmem:$0x1CBC0] =	vst v4  }
0x1ae: {  	[tilespmem:$0x1CBD0] =	vst v3;
	v3 =	vmul.f32 v8, v58  }
0x1af: {  	v63 =	vmul.f32 v8, v59;
	[tilespmem:$0x1CBE0] =	vst v62  }
0x1b0: {  	[tilespmem:$0x1CBF0] =	vst v3;
	v3 =	vmul.f32 v8, v60  }
0x1b1: {  	[tilespmem:$0x1CC00] =	vst v63  }
0x1b2: {  	[tilespmem:$0x1CC10] =	vst v3  }
0x1b3: {  	_ =	swait.ge [sflag:s21], $0x1000  }
0x1b4: {  	[sflag:s21] =	ssyncset.done $0x0  }
0x1b5: {  	[sflag:s21] =	ssyncadd.s32 $0xFFFFF000  }
0x1b6: {  	_ =	swait.ge [sflag:s21], $0x1000  }
0x1b7: {  	[sflag:s21] =	ssyncset.done $0x0  }
0x1b8: {  	[sflag:s21] =	ssyncadd.s32 $0xFFFFF000  }
0x1b9: {  	_ =	swait.ge [sflag:s21], $0x1000  }
0x1ba: {  	[sflag:s21] =	ssyncset.done $0x0  }
0x1bb: {  	[sflag:s21] =	ssyncadd.s32 $0xFFFFF000  }
0x1bc: {  	_ =	swait.ge [sflag:s21], $0x1000  }
0x1bd: {  	[sflag:s21] =	ssyncset.done $0x0  }
0x1be: {  	[sflag:s21] =	ssyncadd.s32 $0xFFFFF000  }
0x1bf: {  	_ =	swait.ge [sflag:s21], $0x1000  }
0x1c0: {  	[sflag:s21] =	ssyncset.done $0x0  }
0x1c1: {  	[sflag:s21] =	ssyncadd.s32 $0xFFFFF000  }
0x1c2: {  	_ =	swait.ge [sflag:s21], $0x1000  }
0x1c3: {  	[sflag:s21] =	ssyncset.done $0x0  }
0x1c4: {  	[sflag:s21] =	ssyncadd.s32 $0xFFFFF000  }
0x1c5: {  	_ =	swait.ge [sflag:s21], $0x1000  }
0x1c6: {  	[sflag:s21] =	ssyncset.done $0x0  }
0x1c7: {  	[sflag:s21] =	ssyncadd.s32 $0xFFFFF000  }
0x1c8: {  	_ =	swait.ge [sflag:s21], $0x1000  }
0x1c9: {  	[sflag:s21] =	ssyncset.done $0x0  }
0x1ca: {  	[sflag:s21] =	ssyncadd.s32 $0xFFFFF000  }
0x1cb: {  	_ =	swait.ge [sflag:s21], $0x1000  }
0x1cc: {  	[sflag:s21] =	ssyncset.done $0x0  }
0x1cd: {  	[sflag:s21] =	ssyncadd.s32 $0xFFFFF000  }
0x1ce: {  	_ =	swait.ge [sflag:s21], $0x1000  }
0x1cf: {  	[sflag:s21] =	ssyncset.done $0x0  }
0x1d0: {  	[sflag:s21] =	ssyncadd.s32 $0xFFFFF000  }
0x1d1: {  	_ =	swait.ge [sflag:s21], $0x1000  }
0x1d2: {  	[sflag:s21] =	ssyncset.done $0x0  }
0x1d3: {  	[sflag:s21] =	ssyncadd.s32 $0xFFFFF000  }
0x1d4: {  	_ =	swait.ge [sflag:s21], $0x1000  }
0x1d5: {  	[sflag:s21] =	ssyncset.done $0x0  }
0x1d6: {  	[sflag:s21] =	ssyncadd.s32 $0xFFFFF000  }
0x1d7: {  	_ =	swait.ge [sflag:s21], $0x1000  }
0x1d8: {  	[sflag:s21] =	ssyncset.done $0x0  }
0x1d9: {  	[sflag:s21] =	ssyncadd.s32 $0xFFFFF000  }
0x1da: {  	_ =	swait.ge [sflag:s21], $0x1000  }
0x1db: {  	[sflag:s21] =	ssyncset.done $0x0  }
0x1dc: {  	[sflag:s21] =	ssyncadd.s32 $0xFFFFF000  }
0x1dd: {  	_ =	swait.ge [sflag:s21], $0x1000  }
0x1de: {  	[sflag:s21] =	ssyncset.done $0x0  }
0x1df: {  	[sflag:s21] =	ssyncadd.s32 $0xFFFFF000  }
0x1e0: {  	_ =	swait.ge [sflag:s21], $0x1000  }
0x1e1: {  	[sflag:s21] =	ssyncset.done $0x0  }
0x1e2: {  	[sflag:s21] =	ssyncadd.s32 $0xFFFFF000  }
0x1e3: {  	_ =	swait.ge [sflag:s21], $0x1000  }
0x1e4: {  	[sflag:s21] =	ssyncset.done $0x0  }
0x1e5: {  	[sflag:s21] =	ssyncadd.s32 $0xFFFFF000  }
0x1e6: {  	_ =	swait.ge [sflag:s21], $0x1000  }
0x1e7: {  	[sflag:s21] =	ssyncset.done $0x0  }
0x1e8: {  	[sflag:s21] =	ssyncadd.s32 $0xFFFFF000  }
0x1e9: {  	_ =	swait.ge [sflag:s21], $0x1000  }
0x1ea: {  	[sflag:s21] =	ssyncset.done $0x0  }
0x1eb: {  	[sflag:s21] =	ssyncadd.s32 $0xFFFFF000  }
0x1ec: {  	_ =	swait.ge [sflag:s21], $0x1000  }
0x1ed: {  	[sflag:s21] =	ssyncset.done $0x0  }
0x1ee: {  	[sflag:s21] =	ssyncadd.s32 $0xFFFFF000  }
0x1ef: {  	_ =	swait.ge [sflag:s22], $0x1000  }
0x1f0: {  	[sflag:s22] =	ssyncset.done $0x0  }
0x1f1: {  	s14 =	simm.s32 $0x0;
	[sflag:s22] =	ssyncadd.s32 $0xFFFFF000  }
.LBB2_3:
0x1f2: {  	v13 =	vmov s14  }
0x1f3: {  	s24 =	sshll.u32 s14, $0x8;
	s25 =	sshll.u32 s14, $0x7  }
0x1f4: {  	s24 =	sand.u32 $0x800, s24;
	s25 =	sand.u32 $0x380, s25  }
0x1f5: {  	s31 =	sand.u32 $0x400, s12;
	s24 =	sor.u32 s25, s24  }
0x1f6: {  	s26 =	sand.u32 $0x70, s12;
	s25 =	sor.u32 s31, s24  }
0x1f7: {  	v14 =	vor.u32 $0x10, v13;
	s25 =	sor.u32 s26, s25;
	v3 =	vld.idx.msk [tilespmem:v13+s23+$0x0], $0xffff  }
0x1f8: {  	v7 =	vld [tilespmem:s25+$0x1CC80]  }
0x1f9: {  	v15 =	vor.u32 $0x20, v13;
	s26 =	simm.s32 $0x8980;
	v8 =	vld [tilespmem:s25+$0x8A80]  }
0x1fa: {  	v9 =	vld [tilespmem:s26+$0x0]  }
0x1fb: {  	v16 =	vor.u32 $0x30, v13;
	v10 =	vld [tilespmem:s25+$0x9A80]  }
0x1fc: {  	v4 =	vld.idx.msk [tilespmem:v14+s23+$0x0], $0xffff  }
0x1fd: {  	v17 =	vor.u32 $0x40, v13;
	v11 =	vld [tilespmem:s25+$0xAA80]  }
0x1fe: {  	v5 =	vld.idx.msk [tilespmem:v15+s23+$0x0], $0xffff  }
0x1ff: {  	v18 =	vor.u32 $0x50, v13;
	v12 =	vld [tilespmem:s25+$0xBA80];
	v9 =	vadd.f32 v9, v7;
	v8 =	vmul.f32 v8, v3  }
0x200: {  	v6 =	vld.idx.msk [tilespmem:v16+s23+$0x0], $0xffff  }
0x201: {  	v19 =	vor.u32 $0x60, v13;
	v21 =	vld [tilespmem:s25+$0xCA80];
	v10 =	vmul.f32 v10, v4;
	v9 =	vadd.f32 v8, v9  }
0x202: {  	v7 =	vld.idx.msk [tilespmem:v17+s23+$0x0], $0xffff  }
0x203: {  	v20 =	vor.u32 $0x70, v13;
	v23 =	vld [tilespmem:s25+$0xDA80];
	v11 =	vmul.f32 v11, v5;
	v10 =	vadd.f32 v10, v9  }
0x204: {  	v8 =	vld.idx.msk [tilespmem:v18+s23+$0x0], $0xffff  }
0x205: {  	v22 =	vor.u32 $0x80, v13;
	v25 =	vld [tilespmem:s25+$0xEA80];
	v12 =	vmul.f32 v12, v6;
	v11 =	vadd.f32 v11, v10  }
0x206: {  	v9 =	vld.idx.msk [tilespmem:v19+s23+$0x0], $0xffff  }
0x207: {  	v24 =	vor.u32 $0x90, v13;
	v26 =	vld [tilespmem:s25+$0xFA80];
	v21 =	vmul.f32 v21, v7;
	v12 =	vadd.f32 v12, v11  }
0x208: {  	v10 =	vld.idx.msk [tilespmem:v20+s23+$0x0], $0xffff  }
0x209: {  	v27 =	vld [tilespmem:s25+$0x10A80];
	v23 =	vmul.f32 v23, v8;
	v21 =	vadd.f32 v21, v12  }
0x20a: {  	v11 =	vld.idx.msk [tilespmem:v22+s23+$0x0], $0xffff  }
0x20b: {  	v50 =	vld [tilespmem:s25+$0x11A80];
	v21 =	vadd.f32 v23, v21;
	v23 =	vmul.f32 v25, v9  }
0x20c: {  	v12 =	vld.idx.msk [tilespmem:v24+s23+$0x0], $0xffff  }
0x20d: {  	v13 =	vld.idx.msk [tilespmem:v13+s9+$0x0], $0xffff;
	v21 =	vadd.f32 v23, v21;
	v23 =	vmul.f32 v26, v10  }
0x20e: {  	v51 =	vld [tilespmem:s25+$0x12A80]  }
0x20f: {  	v52 =	vld [tilespmem:s25+$0x13A80];
	v21 =	vadd.f32 v23, v21;
	v23 =	vmul.f32 v27, v11  }
0x210: {  	v14 =	vld.idx.msk [tilespmem:v14+s9+$0x0], $0xffff  }
0x211: {  	v53 =	vld [tilespmem:s25+$0x14A80];
	v21 =	vadd.f32 v23, v21;
	v23 =	vmul.f32 v50, v12  }
0x212: {  	v15 =	vld.idx.msk [tilespmem:v15+s9+$0x0], $0xffff  }
0x213: {  	v54 =	vld [tilespmem:s25+$0x15A80];
	v21 =	vadd.f32 v23, v21;
	v23 =	vmul.f32 v51, v13  }
0x214: {  	v16 =	vld.idx.msk [tilespmem:v16+s9+$0x0], $0xffff  }
0x215: {  	v55 =	vld [tilespmem:s25+$0x16A80];
	v21 =	vadd.f32 v23, v21;
	v23 =	vmul.f32 v52, v14  }
0x216: {  	v17 =	vld.idx.msk [tilespmem:v17+s9+$0x0], $0xffff  }
0x217: {  	v56 =	vld [tilespmem:s25+$0x17A80];
	v21 =	vadd.f32 v23, v21;
	v23 =	vmul.f32 v53, v15  }
0x218: {  	v18 =	vld.idx.msk [tilespmem:v18+s9+$0x0], $0xffff  }
0x219: {  	v57 =	vld [tilespmem:s25+$0x18A80];
	v21 =	vadd.f32 v23, v21;
	v23 =	vmul.f32 v54, v16  }
0x21a: {  	v19 =	vld.idx.msk [tilespmem:v19+s9+$0x0], $0xffff  }
0x21b: {  	v28 =	vld [tilespmem:s25+$0x19A80];
	v27 =	vmul.f32 v55, v17;
	v23 =	vadd.f32 v23, v21  }
0x21c: {  	v20 =	vld.idx.msk [tilespmem:v20+s9+$0x0], $0xffff  }
0x21d: {  	v58 =	vld [tilespmem:s25+$0x1AA80];
	v25 =	vmul.f32 v56, v18;
	v23 =	vadd.f32 v27, v23  }
0x21e: {  	v21 =	vld.idx.msk [tilespmem:v22+s9+$0x0], $0xffff  }
0x21f: {  	v60 =	vld [tilespmem:s25+$0x1BA80];
	v59 =	vmul.f32 v57, v19;
	v23 =	vadd.f32 v25, v23  }
0x220: {  	v22 =	vld.idx.msk [tilespmem:v24+s9+$0x0], $0xffff  }
0x221: {  	v61 =	vmul.f32 v28, v20;
	v23 =	vadd.f32 v59, v23;
	_ =	sdelay $0x1  }
0x222: {  	v62 =	vmul.f32 v58, v21;
	v23 =	vadd.f32 v61, v23;
	_ =	sdelay $0x1  }
0x223: {  	s28 =	simm.s32 $0x80;
	v63 =	vmul.f32 v60, v22;
	v23 =	vadd.f32 v62, v23  }
0x224: {  	s29 =	simm.s32 $0x10;
	s30 =	sand.u32 $0x400, s28  }
0x225: {  	s29 =	sand.u32 $0x70, s29;
	s30 =	sor.u32 s30, s24;
	v23 =	vadd.f32 v63, v23  }
0x226: {  	s30 =	sor.u32 s29, s30;
	s29 =	simm.s32 $0x20  }
.LBB2_4:
0x227: {  	p0 =	sne.s32 s29, $0xF0;
	v24 =	vld [tilespmem:s30+$0x1CC80];
	v23 =	vmax.f32 v23, $0.0e+00  }
0x228: {  	s26 =	sadd.s32 $0x10, s26;
	v25 =	vld [tilespmem:s30+$0x8A80];
	[tilespmem:s25+$0x1DC80] =	vst v23;
	s25 =	smov.u32 s30  }
0x229: {  	v23 =	vld [tilespmem:s26+$0x0];
	_ =	sdelay $0x1  }
0x22a: {  	v26 =	vld [tilespmem:s25+$0x9A80];
	_ =	sdelay $0x1  }
0x22b: {  	v27 =	vld [tilespmem:s25+$0xAA80]  }
0x22c: {  	v23 =	vadd.f32 v23, v24;
	v24 =	vmul.f32 v25, v3  }
0x22d: {  	v25 =	vld [tilespmem:s25+$0xBA80]  }
0x22e: {  	v23 =	vadd.f32 v24, v23;
	v24 =	vmul.f32 v26, v4  }
0x22f: {  	v26 =	vld [tilespmem:s25+$0xCA80]  }
0x230: {  	v23 =	vadd.f32 v24, v23;
	v24 =	vmul.f32 v27, v5  }
0x231: {  	v27 =	vld [tilespmem:s25+$0xDA80]  }
0x232: {  	v23 =	vadd.f32 v24, v23;
	v24 =	vmul.f32 v25, v6  }
0x233: {  	v25 =	vld [tilespmem:s25+$0xEA80]  }
0x234: {  	v23 =	vadd.f32 v24, v23;
	v24 =	vmul.f32 v26, v7  }
0x235: {  	v26 =	vld [tilespmem:s25+$0xFA80]  }
0x236: {  	v23 =	vadd.f32 v24, v23;
	v24 =	vmul.f32 v27, v8  }
0x237: {  	v27 =	vld [tilespmem:s25+$0x10A80]  }
0x238: {  	v23 =	vadd.f32 v24, v23;
	v24 =	vmul.f32 v25, v9  }
0x239: {  	v25 =	vld [tilespmem:s25+$0x11A80]  }
0x23a: {  	v23 =	vadd.f32 v24, v23;
	v24 =	vmul.f32 v26, v10  }
0x23b: {  	v26 =	vld [tilespmem:s25+$0x12A80]  }
0x23c: {  	v23 =	vadd.f32 v24, v23;
	v24 =	vmul.f32 v27, v11  }
0x23d: {  	v27 =	vld [tilespmem:s25+$0x13A80]  }
0x23e: {  	v23 =	vadd.f32 v24, v23;
	v24 =	vmul.f32 v25, v12  }
0x23f: {  	v25 =	vld [tilespmem:s25+$0x14A80]  }
0x240: {  	v23 =	vadd.f32 v24, v23;
	v24 =	vmul.f32 v26, v13  }
0x241: {  	v26 =	vld [tilespmem:s25+$0x15A80]  }
0x242: {  	v23 =	vadd.f32 v24, v23;
	v24 =	vmul.f32 v27, v14  }
0x243: {  	v27 =	vld [tilespmem:s25+$0x16A80]  }
0x244: {  	v23 =	vadd.f32 v24, v23;
	v24 =	vmul.f32 v25, v15  }
0x245: {  	v25 =	vld [tilespmem:s25+$0x17A80]  }
0x246: {  	v23 =	vadd.f32 v24, v23;
	v24 =	vmul.f32 v26, v16  }
0x247: {  	v26 =	vld [tilespmem:s25+$0x18A80]  }
0x248: {  	v23 =	vadd.f32 v24, v23;
	v24 =	vmul.f32 v27, v17  }
0x249: {  	v27 =	vld [tilespmem:s25+$0x19A80]  }
0x24a: {  	v23 =	vadd.f32 v24, v23;
	v24 =	vmul.f32 v25, v18  }
0x24b: {  	v25 =	vld [tilespmem:s25+$0x1AA80]  }
0x24c: {  	v23 =	vadd.f32 v24, v23;
	v24 =	vmul.f32 v26, v19  }
0x24d: {  	v26 =	vld [tilespmem:s25+$0x1BA80]  }
0x24e: {  	v23 =	vadd.f32 v24, v23;
	v24 =	vmul.f32 v27, v20;
	_ =	sdelay $0x1  }
0x24f: {  	v23 =	vadd.f32 v24, v23;
	v24 =	vmul.f32 v25, v21  }
.Ltmp0:
0x250: {  	(pc) =	sbr.rel @p0 .LBB2_4-.Ltmp0, $4  }
0x251: {  	s28 =	sadd.s32 $0x80, s28;
	v23 =	vadd.f32 v24, v23;
	v24 =	vmul.f32 v26, v22  }
0x252: {  	s30 =	sand.u32 $0x400, s28  }
0x253: {  	s31 =	sand.u32 $0x70, s29;
	s30 =	sor.u32 s30, s24;
	v23 =	vadd.f32 v24, v23  }
0x254: {  	s29 =	sadd.s32 $0x10, s29;
	s30 =	sor.u32 s31, s30  }
0x255: {  	v24 =	vld [tilespmem:s30+$0x1CC80];
	v23 =	vmax.f32 v23, $0.0e+00  }
0x256: {  	v25 =	vld [tilespmem:s30+$0x8A80];
	s24 =	sadd.s32 $0x10, s26;
	[tilespmem:s25+$0x1DC80] =	vst v23  }
0x257: {  	v23 =	vld [tilespmem:s24+$0x0];
	_ =	sdelay $0x1  }
0x258: {  	v26 =	vld [tilespmem:s30+$0x9A80];
	_ =	sdelay $0x1  }
0x259: {  	v27 =	vld [tilespmem:s30+$0xAA80]  }
0x25a: {  	v3 =	vmul.f32 v25, v3;
	v23 =	vadd.f32 v23, v24  }
0x25b: {  	v29 =	vld [tilespmem:s30+$0xBA80]  }
0x25c: {  	v4 =	vmul.f32 v26, v4;
	v3 =	vadd.f32 v3, v23  }
0x25d: {  	v30 =	vld [tilespmem:s30+$0xCA80]  }
0x25e: {  	v31 =	vmul.f32 v27, v5;
	v3 =	vadd.f32 v4, v3  }
0x25f: {  	v32 =	vld [tilespmem:s30+$0xDA80]  }
0x260: {  	v33 =	vmul.f32 v29, v6;
	v3 =	vadd.f32 v31, v3  }
0x261: {  	v34 =	vld [tilespmem:s30+$0xEA80]  }
0x262: {  	v35 =	vmul.f32 v30, v7;
	v3 =	vadd.f32 v33, v3  }
0x263: {  	v36 =	vld [tilespmem:s30+$0xFA80]  }
0x264: {  	v37 =	vmul.f32 v32, v8;
	v3 =	vadd.f32 v35, v3  }
0x265: {  	v38 =	vld [tilespmem:s30+$0x10A80]  }
0x266: {  	v39 =	vmul.f32 v34, v9;
	v3 =	vadd.f32 v37, v3  }
0x267: {  	v40 =	vld [tilespmem:s30+$0x11A80]  }
0x268: {  	v41 =	vmul.f32 v36, v10;
	v3 =	vadd.f32 v39, v3  }
0x269: {  	v42 =	vld [tilespmem:s30+$0x12A80]  }
0x26a: {  	v43 =	vmul.f32 v38, v11;
	v3 =	vadd.f32 v41, v3  }
0x26b: {  	v44 =	vld [tilespmem:s30+$0x13A80]  }
0x26c: {  	v45 =	vmul.f32 v40, v12;
	v3 =	vadd.f32 v43, v3  }
0x26d: {  	v46 =	vld [tilespmem:s30+$0x14A80]  }
0x26e: {  	v47 =	vmul.f32 v42, v13;
	v3 =	vadd.f32 v45, v3  }
0x26f: {  	v48 =	vld [tilespmem:s30+$0x15A80]  }
0x270: {  	v49 =	vmul.f32 v44, v14;
	v3 =	vadd.f32 v47, v3  }
0x271: {  	v50 =	vld [tilespmem:s30+$0x16A80]  }
0x272: {  	v51 =	vmul.f32 v46, v15;
	v3 =	vadd.f32 v49, v3  }
0x273: {  	v52 =	vld [tilespmem:s30+$0x17A80]  }
0x274: {  	v53 =	vmul.f32 v48, v16;
	v3 =	vadd.f32 v51, v3  }
0x275: {  	v54 =	vld [tilespmem:s30+$0x18A80]  }
0x276: {  	v55 =	vmul.f32 v50, v17;
	v3 =	vadd.f32 v53, v3  }
0x277: {  	v56 =	vld [tilespmem:s30+$0x19A80]  }
0x278: {  	v57 =	vmul.f32 v52, v18;
	v3 =	vadd.f32 v55, v3  }
0x279: {  	v58 =	vld [tilespmem:s30+$0x1AA80]  }
0x27a: {  	v59 =	vmul.f32 v54, v19;
	v3 =	vadd.f32 v57, v3  }
0x27b: {  	v60 =	vld [tilespmem:s30+$0x1BA80]  }
0x27c: {  	v61 =	vmul.f32 v56, v20;
	v3 =	vadd.f32 v59, v3;
	_ =	sdelay $0x1  }
0x27d: {  	v62 =	vmul.f32 v58, v21;
	v3 =	vadd.f32 v61, v3  }
0x27e: {  	s14 =	sadd.s32 $0x1, s14  }
0x27f: {  	p0 =	sne.s32 s14, $0x10;
	v63 =	vmul.f32 v60, v22;
	v3 =	vadd.f32 v62, v3  }
.Ltmp1:
0x280: {  	_ = 	snop;
	(pc) =	sbr.rel @p0 .LBB2_3-.Ltmp1, $3  }
0x281: {  	v3 =	vadd.f32 v63, v3;
	_ =	sdelay $0x1  }
0x282: {  	v3 =	vmax.f32 v3, $0.0e+00  }
0x283: {  	[tilespmem:s30+$0x1DC80] =	vst v3  }
0x284: {  	s11 =	sadd.s32 $0x1, s11  }
0x285: {  	p0 =	sne.s32 s11, $0x14  }
.Ltmp2:
0x286: {  	s12 =	sadd.s32 s7, s13;
	(pc) =	sbr.rel @p0 .LBB2_2-.Ltmp2, $4  }
0x287: {  	[hbm4b:s12+s4] =	stream.linear.scatter [tilespmem:s10], [sflag:$0x3], $0x1000, $0x38;
	[tilespmem:$0x1EC80] =	vst v63  }
0x288: {  	_ =	swait.ge [sflag:s15], $0x1000  }
0x289: {  	[sflag:s15] =	ssyncset.done $0x0  }
0x28a: {  	[sflag:s15] =	ssyncadd.s32 $0xFFFFF000  }
0x28b: {  	s12 =	rddreg [dreg:$0xc]  }
0x28c: {  	s11 =	rddreg [dreg:$0xb];
	s12 =	sadd.s32 $0x1, s12  }
0x28d: {  	p0 =	sne.s32 s12, s11  }
.Ltmp3:
0x28e: {  	_ = 	snop;
	(pc) =	sbr.rel @p0 .LBB2_1-.Ltmp3, $1  }
0x28f: {  	_ =	sdelay $0x3  }
0x290: {  	_ =	sfence.sel $0x180000  }
0x291: {  	[bflag:$0x0] =	sbarrier.arrive $0xFFFF  }
0x292: {  	_ =	strace $0x90000047  }
0x293: {  	s0 =	stileid.u32;
	[bflag:$0x2] =	sbarrier.arrive $0xFFFF  }
0x294: {  	p0 =	sne.s32 s0, $0x0;
	s0 =	rddreg [dreg:$0x5]  }
0x295: {  	s0 =	sadd.s32 @!p0 $0x100000, s0  }
0x296: {  	[sflag:s0] =	ssyncadd.tile.s32 @!p0 $0x1;
	_ =	shalt  }
.Lfunc_end2:
_tile_overlayer_lowered:
.L_overlay_start_2:
0x297: {  	(tag) =	ssettag $0x2  }
0x298: {  	s0 =	rddreg [dreg:$0x0];
	s2 =	stileid.u32  }
0x299: {  	s1 =	rddreg [dreg:$0x1];
	p0 =	sne.s32 s2, $0x0  }
0x29a: {  	s3 =	rddreg [dreg:$0x2];
	[bflag:$0x3] =	sbarrier.arrive $0xFFFF;
	s2 =	simm.s32 @!p0 $0x1C03  }
0x29b: {  	[timem:s3], [sflag:s2] =	dma.local @!p0 [hbm:s0], s1  }
0x29c: {  	s0 =	simm.s32 @!p0 $0x3  }
0x29d: {  	_ =	swait.ge @!p0 [sflag:s0], s1  }
0x29e: {  	s1 =	ssub.s32 @!p0 $0x0, s1;
	[sflag:s0] =	ssyncset.done @!p0 $0x0  }
0x29f: {  	[sflag:s0] =	ssyncadd.s32 @!p0 s1  }
0x2a0: {  	[bflag:$0x3] =	sbarrier.arrive $0xFFFF  }
0x2a1: {  	_ =	shalt  }

</sc_bundles>
